<compile_context>
chip_gen: v7x
topology: tpu7x:2x2x1
jax: 0.10.2.dev20260603
libtpu: 0.0.44.dev20260713+nightly
codegen_flags: <defaults>
</compile_context>

<pallas_src>
import functools

import jax
import jax.numpy as jnp
from jax import lax
from jax.experimental import pallas as pl
from jax.experimental.pallas import tpu as pltpu
from jax.experimental.pallas import tpu_sc as plsc

_D = 512
_B = 4096 * 50
_NC, _NS = 2, 16
_NW = _NC * _NS
_RPW = _B // _NW
_CH = 80
_NCH = _RPW // _CH
_NBUF = 2


def _make_gather():
  mesh = plsc.VectorSubcoreMesh(core_axis_name="c", subcore_axis_name="s")
  scratch = [pltpu.VMEM((_NCH, 1, _CH), jnp.int32)]
  scratch += [pltpu.VMEM((_CH, _D), jnp.float32) for _ in range(_NBUF)]
  scratch += [pltpu.SemaphoreType.DMA for _ in range(2 * _NBUF)]

  @functools.partial(
      pl.kernel,
      mesh=mesh,
      out_type=jax.ShapeDtypeStruct((_B, _D), jnp.float32),
      scratch_types=scratch,
      compiler_params=pltpu.CompilerParams(use_tc_tiling_on_sc=True),
  )
  def gather_kernel(idx_hbm, table_hbm, out_hbm, idx_v, *rest):
    bufs = rest[:_NBUF]
    in_sems = rest[_NBUF:2 * _NBUF]
    out_sems = rest[2 * _NBUF:]
    wid = lax.axis_index("s") * _NC + lax.axis_index("c")
    row0 = wid * _RPW

    pltpu.sync_copy(idx_hbm.at[pl.ds(wid * _NCH, _NCH)], idx_v)

    def start_gather(c, b):
      pltpu.async_copy(table_hbm.at[idx_v.at[c, 0]], bufs[b], in_sems[b])

    def wait_gather(b):
      pltpu.make_async_copy(
          table_hbm.at[idx_v.at[0, 0]], bufs[b], in_sems[b]).wait()

    def start_scatter(c, b):
      pltpu.async_copy(
          bufs[b], out_hbm.at[pl.ds(row0 + c * _CH, _CH)], out_sems[b])

    def wait_scatter(b):
      pltpu.make_async_copy(
          bufs[b], out_hbm.at[pl.ds(row0, _CH)], out_sems[b]).wait()

    for b in range(_NBUF):
      start_gather(b, b)

    def body(o, carry):
      for b in range(_NBUF):
        c = o * _NBUF + b
        wait_gather(b)
        start_scatter(c, b)
        wait_scatter(b)
        start_gather(c + _NBUF, b)
      return carry

    lax.fori_loop(0, _NCH // _NBUF - 1, body, 0)

    for b in range(_NBUF):
      wait_gather(b)
      start_scatter(_NCH - _NBUF + b, b)
    for b in range(_NBUF):
      wait_scatter(b)

  return gather_kernel


_gather = _make_gather()


def kernel(x, table):
  idx = x.astype(jnp.int32).reshape(_NW * _NCH, 1, _CH)
  return _gather(idx, table).reshape(4096, 50, _D)

# --- scband reference (transcript-rebuilt; emitter-appended) ---
"""Pipeline reference for scband-word-embedder-13864154432043 (READ-ONLY COPY).

The authoritative reference and input builder live on the scoring server;
editing this copy changes nothing except your own understanding.
"""

import jax, jax.numpy as jnp
import numpy as np

DICT_SIZE = 5120
EMBED_DIM = 512

def setup_inputs(seed: int = 0) -> dict:
    key = jax.random.key(seed)
    k_idx, k_tab = jax.random.split(key)
    x = jax.random.randint(k_idx, (4096, 50), 0, DICT_SIZE, dtype=jnp.int64 if jax.config.jax_enable_x64 else jnp.int32)
    table = jax.random.normal(k_tab, (DICT_SIZE, EMBED_DIM), dtype=jnp.float32)
    return {"x": x, "table": table}

def reference(x, table):
    # nn.Embedding lookup: gather rows of the table by index
    return jnp.take(table, x, axis=0)

if __name__ == "__main__":
    import jax
    _d = setup_inputs()
    print(jax.jit(kernel)(*tuple(_d.values())))

</pallas_src>

<mosaic_0001>
#map = affine_map<(d0, d1) -> (0, 0, 0)>
#map1 = affine_map<(d0, d1) -> (0, 0)>
module attributes {stable_mosaic.version = 14 : i64} {
  func.func @gather_kernel(%arg0: i32, %arg1: i32, %arg2: memref<2560x1x80xi32, #tpu.memory_space<hbm>>, %arg3: memref<5120x512xf32, #tpu.memory_space<hbm>>, %arg4: memref<204800x512xf32, #tpu.memory_space<hbm>>, %arg5: memref<80x1x80xi32, #tpu.memory_space<vmem>>, %arg6: memref<80x512xf32, #tpu.memory_space<vmem>>, %arg7: memref<80x512xf32, #tpu.memory_space<vmem>>, %arg8: memref<!tpu.dma_semaphore, #tpu.memory_space<semaphore_mem>>, %arg9: memref<!tpu.dma_semaphore, #tpu.memory_space<semaphore_mem>>, %arg10: memref<!tpu.dma_semaphore, #tpu.memory_space<semaphore_mem>>, %arg11: memref<!tpu.dma_semaphore, #tpu.memory_space<semaphore_mem>>) attributes {dimension_semantics = [#tpu.dimension_semantics<core_parallel>, #tpu.dimension_semantics<subcore_parallel>], iteration_bounds = array<i64: 2, 16>, scalar_prefetch = 0 : i64, scratch_operands = 7 : i64, tpu.core_type = #tpu.core_type<sc_vector_subcore>, window_params = [{transform_indices = #map}, {transform_indices = #map1}, {transform_indices = #map1}]} {
    %mul3A = arith.constant 2 : i32
    %mul3A_0 = arith.muli %arg1, %mul3A : i32
    %add3A = arith.addi %mul3A_0, %arg0 : i32
    %mul3A_1 = arith.constant 6400 : i32
    %mul3A_2 = arith.muli %add3A, %mul3A_1 : i32
    %mul3A_3 = arith.constant 80 : i32
    %mul3A_4 = arith.muli %add3A, %mul3A_3 : i32
    "tpu.region"() ({
      %run_scoped3A = tpu.sem_alloc : memref<!tpu.dma_semaphore, #tpu.memory_space<semaphore_mem>>
      %dma_start3A_60 = arith.constant 0 : i32
      %dma_start3A_61 = arith.constant 0 : i32
      %dma_start3A_62 = tpu.memref_slice %arg2[%mul3A_4, %dma_start3A_60, %dma_start3A_61] : memref<2560x1x80xi32, #tpu.memory_space<hbm>> -> memref<80x1x80xi32, #tpu.memory_space<hbm>>
      %dma_start3A_63 = arith.constant 0 : i32
      %dma_start3A_64 = arith.constant 0 : i32
      %dma_start3A_65 = tpu.memref_slice %arg2[%mul3A_4, %dma_start3A_63, %dma_start3A_64] : memref<2560x1x80xi32, #tpu.memory_space<hbm>> -> memref<80x1x80xi32, #tpu.memory_space<hbm>>
      tpu.enqueue_dma source(%dma_start3A_65 : memref<80x1x80xi32, #tpu.memory_space<hbm>>) target(%arg5 : memref<80x1x80xi32, #tpu.memory_space<vmem>>) target_semaphore(%run_scoped3A : memref<!tpu.dma_semaphore, #tpu.memory_space<semaphore_mem>>)
      %dma_wait3A_66 = arith.constant 0 : i32
      %dma_wait3A_67 = arith.constant 0 : i32
      %dma_wait3A_68 = tpu.memref_slice %arg2[%mul3A_4, %dma_wait3A_66, %dma_wait3A_67] : memref<2560x1x80xi32, #tpu.memory_space<hbm>> -> memref<80x1x80xi32, #tpu.memory_space<hbm>>
      %dma_wait3A_69 = arith.constant 0 : i32
      %dma_wait3A_70 = arith.constant 0 : i32
      %dma_wait3A_71 = tpu.memref_slice %arg2[%mul3A_4, %dma_wait3A_69, %dma_wait3A_70] : memref<2560x1x80xi32, #tpu.memory_space<hbm>> -> memref<80x1x80xi32, #tpu.memory_space<hbm>>
      tpu.wait_dma2 semaphore(%run_scoped3A : memref<!tpu.dma_semaphore, #tpu.memory_space<semaphore_mem>>) src(%dma_wait3A_71 : memref<80x1x80xi32, #tpu.memory_space<hbm>>) dst(%arg5 : memref<80x1x80xi32, #tpu.memory_space<vmem>>)
      tpu.yield
    }) : () -> ()
    %dma_start3A = arith.constant 0 : i32
    %dma_start3A_5 = arith.constant 0 : i32
    %dma_start3A_6 = arith.constant 0 : i32
    %dma_start3A_7 = tpu.memref_slice %arg5[%dma_start3A, %dma_start3A_5, %dma_start3A_6] : memref<80x1x80xi32, #tpu.memory_space<vmem>> -> memref<1x1x80xi32, #tpu.memory_space<vmem>>
    %dma_start3A_8 = tpu.memref_squeeze %dma_start3A_7 : memref<1x1x80xi32, #tpu.memory_space<vmem>> -> memref<80xi32, #tpu.memory_space<vmem>>
    %dma_start3A_9 = arith.constant 0 : i32
    %dma_start3A_10 = arith.constant 0 : i32
    %dma_start3A_11 = tpu.memref_slice %arg3[%dma_start3A_9, %dma_start3A_10] : memref<5120x512xf32, #tpu.memory_space<hbm>> -> memref<5120x512xf32, #tpu.memory_space<hbm>>
    tpu.enqueue_indirect_dma source(%dma_start3A_11 : memref<5120x512xf32, #tpu.memory_space<hbm>>) target(%arg6 : memref<80x512xf32, #tpu.memory_space<vmem>>) offsets(%dma_start3A_8 : memref<80xi32, #tpu.memory_space<vmem>>) semaphore(%arg8 : memref<!tpu.dma_semaphore, #tpu.memory_space<semaphore_mem>>)
    %dma_start3A_12 = arith.constant 1 : i32
    %dma_start3A_13 = arith.constant 0 : i32
    %dma_start3A_14 = arith.constant 0 : i32
    %dma_start3A_15 = tpu.memref_slice %arg5[%dma_start3A_12, %dma_start3A_13, %dma_start3A_14] : memref<80x1x80xi32, #tpu.memory_space<vmem>> -> memref<1x1x80xi32, #tpu.memory_space<vmem>>
    %dma_start3A_16 = tpu.memref_squeeze %dma_start3A_15 : memref<1x1x80xi32, #tpu.memory_space<vmem>> -> memref<80xi32, #tpu.memory_space<vmem>>
    %dma_start3A_17 = arith.constant 0 : i32
    %dma_start3A_18 = arith.constant 0 : i32
    %dma_start3A_19 = tpu.memref_slice %arg3[%dma_start3A_17, %dma_start3A_18] : memref<5120x512xf32, #tpu.memory_space<hbm>> -> memref<5120x512xf32, #tpu.memory_space<hbm>>
    tpu.enqueue_indirect_dma source(%dma_start3A_19 : memref<5120x512xf32, #tpu.memory_space<hbm>>) target(%arg7 : memref<80x512xf32, #tpu.memory_space<vmem>>) offsets(%dma_start3A_16 : memref<80xi32, #tpu.memory_space<vmem>>) semaphore(%arg9 : memref<!tpu.dma_semaphore, #tpu.memory_space<semaphore_mem>>)
    %scan3A = arith.constant 0 : i32
    %scan3A_20 = arith.constant 0 : i32
    %scan3A_21 = arith.constant 39 : i32
    %scan3A_22 = arith.addi %scan3A_20, %scan3A_21 : i32
    %scan3A_23 = arith.constant 1 : i32
    scf.for %scan3A_60 = %scan3A_20 to %scan3A_22 step %scan3A_23  : i32 {
      %mul3A_61 = arith.constant 2 : i32
      %mul3A_62 = arith.muli %scan3A_60, %mul3A_61 : i32
      %add3A_63 = arith.constant 0 : i32
      %add3A_64 = arith.addi %mul3A_62, %add3A_63 : i32
      %dma_wait3A_65 = arith.constant 0 : i32
      %dma_wait3A_66 = arith.constant 0 : i32
      %dma_wait3A_67 = arith.constant 0 : i32
      %dma_wait3A_68 = tpu.memref_slice %arg5[%dma_wait3A_65, %dma_wait3A_66, %dma_wait3A_67] : memref<80x1x80xi32, #tpu.memory_space<vmem>> -> memref<1x1x80xi32, #tpu.memory_space<vmem>>
      %dma_wait3A_69 = tpu.memref_squeeze %dma_wait3A_68 : memref<1x1x80xi32, #tpu.memory_space<vmem>> -> memref<80xi32, #tpu.memory_space<vmem>>
      %dma_wait3A_70 = arith.constant 0 : i32
      %dma_wait3A_71 = arith.constant 0 : i32
      %dma_wait3A_72 = tpu.memref_slice %arg3[%dma_wait3A_70, %dma_wait3A_71] : memref<5120x512xf32, #tpu.memory_space<hbm>> -> memref<5120x512xf32, #tpu.memory_space<hbm>>
      tpu.wait_indirect_dma semaphore(%arg8 : memref<!tpu.dma_semaphore, #tpu.memory_space<semaphore_mem>>) src(%dma_wait3A_72 : memref<5120x512xf32, #tpu.memory_space<hbm>>) dst(%arg6 : memref<80x512xf32, #tpu.memory_space<vmem>>)
      %mul3A_73 = arith.constant 80 : i32
      %mul3A_74 = arith.muli %add3A_64, %mul3A_73 : i32
      %add3A_75 = arith.addi %mul3A_2, %mul3A_74 : i32
      %dma_start3A_76 = arith.constant 0 : i32
      %dma_start3A_77 = tpu.memref_slice %arg4[%add3A_75, %dma_start3A_76] : memref<204800x512xf32, #tpu.memory_space<hbm>> -> memref<80x512xf32, #tpu.memory_space<hbm>>
      %dma_start3A_78 = arith.constant 0 : i32
      %dma_start3A_79 = tpu.memref_slice %arg4[%add3A_75, %dma_start3A_78] : memref<204800x512xf32, #tpu.memory_space<hbm>> -> memref<80x512xf32, #tpu.memory_space<hbm>>
      tpu.enqueue_dma source(%arg6 : memref<80x512xf32, #tpu.memory_space<vmem>>) target(%dma_start3A_79 : memref<80x512xf32, #tpu.memory_space<hbm>>) target_semaphore(%arg10 : memref<!tpu.dma_semaphore, #tpu.memory_space<semaphore_mem>>)
      %dma_wait3A_80 = arith.constant 0 : i32
      %dma_wait3A_81 = tpu.memref_slice %arg4[%mul3A_2, %dma_wait3A_80] : memref<204800x512xf32, #tpu.memory_space<hbm>> -> memref<80x512xf32, #tpu.memory_space<hbm>>
      %dma_wait3A_82 = arith.constant 0 : i32
      %dma_wait3A_83 = tpu.memref_slice %arg4[%mul3A_2, %dma_wait3A_82] : memref<204800x512xf32, #tpu.memory_space<hbm>> -> memref<80x512xf32, #tpu.memory_space<hbm>>
      tpu.wait_dma2 semaphore(%arg10 : memref<!tpu.dma_semaphore, #tpu.memory_space<semaphore_mem>>) src(%arg6 : memref<80x512xf32, #tpu.memory_space<vmem>>) dst(%dma_wait3A_83 : memref<80x512xf32, #tpu.memory_space<hbm>>)
      %add3A_84 = arith.constant 2 : i32
      %add3A_85 = arith.addi %add3A_64, %add3A_84 : i32
      %dma_start3A_86 = arith.constant 0 : i32
      %dma_start3A_87 = arith.constant 0 : i32
      %dma_start3A_88 = tpu.memref_slice %arg5[%add3A_85, %dma_start3A_86, %dma_start3A_87] : memref<80x1x80xi32, #tpu.memory_space<vmem>> -> memref<1x1x80xi32, #tpu.memory_space<vmem>>
      %dma_start3A_89 = tpu.memref_squeeze %dma_start3A_88 : memref<1x1x80xi32, #tpu.memory_space<vmem>> -> memref<80xi32, #tpu.memory_space<vmem>>
      %dma_start3A_90 = arith.constant 0 : i32
      %dma_start3A_91 = arith.constant 0 : i32
      %dma_start3A_92 = tpu.memref_slice %arg3[%dma_start3A_90, %dma_start3A_91] : memref<5120x512xf32, #tpu.memory_space<hbm>> -> memref<5120x512xf32, #tpu.memory_space<hbm>>
      tpu.enqueue_indirect_dma source(%dma_start3A_92 : memref<5120x512xf32, #tpu.memory_space<hbm>>) target(%arg6 : memref<80x512xf32, #tpu.memory_space<vmem>>) offsets(%dma_start3A_89 : memref<80xi32, #tpu.memory_space<vmem>>) semaphore(%arg8 : memref<!tpu.dma_semaphore, #tpu.memory_space<semaphore_mem>>)
      %mul3A_93 = arith.constant 2 : i32
      %mul3A_94 = arith.muli %scan3A_60, %mul3A_93 : i32
      %add3A_95 = arith.constant 1 : i32
      %add3A_96 = arith.addi %mul3A_94, %add3A_95 : i32
      %dma_wait3A_97 = arith.constant 0 : i32
      %dma_wait3A_98 = arith.constant 0 : i32
      %dma_wait3A_99 = arith.constant 0 : i32
      %dma_wait3A_100 = tpu.memref_slice %arg5[%dma_wait3A_97, %dma_wait3A_98, %dma_wait3A_99] : memref<80x1x80xi32, #tpu.memory_space<vmem>> -> memref<1x1x80xi32, #tpu.memory_space<vmem>>
      %dma_wait3A_101 = tpu.memref_squeeze %dma_wait3A_100 : memref<1x1x80xi32, #tpu.memory_space<vmem>> -> memref<80xi32, #tpu.memory_space<vmem>>
      %dma_wait3A_102 = arith.constant 0 : i32
      %dma_wait3A_103 = arith.constant 0 : i32
      %dma_wait3A_104 = tpu.memref_slice %arg3[%dma_wait3A_102, %dma_wait3A_103] : memref<5120x512xf32, #tpu.memory_space<hbm>> -> memref<5120x512xf32, #tpu.memory_space<hbm>>
      tpu.wait_indirect_dma semaphore(%arg9 : memref<!tpu.dma_semaphore, #tpu.memory_space<semaphore_mem>>) src(%dma_wait3A_104 : memref<5120x512xf32, #tpu.memory_space<hbm>>) dst(%arg7 : memref<80x512xf32, #tpu.memory_space<vmem>>)
      %mul3A_105 = arith.constant 80 : i32
      %mul3A_106 = arith.muli %add3A_96, %mul3A_105 : i32
      %add3A_107 = arith.addi %mul3A_2, %mul3A_106 : i32
      %dma_start3A_108 = arith.constant 0 : i32
      %dma_start3A_109 = tpu.memref_slice %arg4[%add3A_107, %dma_start3A_108] : memref<204800x512xf32, #tpu.memory_space<hbm>> -> memref<80x512xf32, #tpu.memory_space<hbm>>
      %dma_start3A_110 = arith.constant 0 : i32
      %dma_start3A_111 = tpu.memref_slice %arg4[%add3A_107, %dma_start3A_110] : memref<204800x512xf32, #tpu.memory_space<hbm>> -> memref<80x512xf32, #tpu.memory_space<hbm>>
      tpu.enqueue_dma source(%arg7 : memref<80x512xf32, #tpu.memory_space<vmem>>) target(%dma_start3A_111 : memref<80x512xf32, #tpu.memory_space<hbm>>) target_semaphore(%arg11 : memref<!tpu.dma_semaphore, #tpu.memory_space<semaphore_mem>>)
      %dma_wait3A_112 = arith.constant 0 : i32
      %dma_wait3A_113 = tpu.memref_slice %arg4[%mul3A_2, %dma_wait3A_112] : memref<204800x512xf32, #tpu.memory_space<hbm>> -> memref<80x512xf32, #tpu.memory_space<hbm>>
      %dma_wait3A_114 = arith.constant 0 : i32
      %dma_wait3A_115 = tpu.memref_slice %arg4[%mul3A_2, %dma_wait3A_114] : memref<204800x512xf32, #tpu.memory_space<hbm>> -> memref<80x512xf32, #tpu.memory_space<hbm>>
      tpu.wait_dma2 semaphore(%arg11 : memref<!tpu.dma_semaphore, #tpu.memory_space<semaphore_mem>>) src(%arg7 : memref<80x512xf32, #tpu.memory_space<vmem>>) dst(%dma_wait3A_115 : memref<80x512xf32, #tpu.memory_space<hbm>>)
      %add3A_116 = arith.constant 2 : i32
      %add3A_117 = arith.addi %add3A_96, %add3A_116 : i32
      %dma_start3A_118 = arith.constant 0 : i32
      %dma_start3A_119 = arith.constant 0 : i32
      %dma_start3A_120 = tpu.memref_slice %arg5[%add3A_117, %dma_start3A_118, %dma_start3A_119] : memref<80x1x80xi32, #tpu.memory_space<vmem>> -> memref<1x1x80xi32, #tpu.memory_space<vmem>>
      %dma_start3A_121 = tpu.memref_squeeze %dma_start3A_120 : memref<1x1x80xi32, #tpu.memory_space<vmem>> -> memref<80xi32, #tpu.memory_space<vmem>>
      %dma_start3A_122 = arith.constant 0 : i32
      %dma_start3A_123 = arith.constant 0 : i32
      %dma_start3A_124 = tpu.memref_slice %arg3[%dma_start3A_122, %dma_start3A_123] : memref<5120x512xf32, #tpu.memory_space<hbm>> -> memref<5120x512xf32, #tpu.memory_space<hbm>>
      tpu.enqueue_indirect_dma source(%dma_start3A_124 : memref<5120x512xf32, #tpu.memory_space<hbm>>) target(%arg7 : memref<80x512xf32, #tpu.memory_space<vmem>>) offsets(%dma_start3A_121 : memref<80xi32, #tpu.memory_space<vmem>>) semaphore(%arg9 : memref<!tpu.dma_semaphore, #tpu.memory_space<semaphore_mem>>)
    }
    %scan3A_24 = arith.constant 39 : i32
    %dma_wait3A = arith.constant 0 : i32
    %dma_wait3A_25 = arith.constant 0 : i32
    %dma_wait3A_26 = arith.constant 0 : i32
    %dma_wait3A_27 = tpu.memref_slice %arg5[%dma_wait3A, %dma_wait3A_25, %dma_wait3A_26] : memref<80x1x80xi32, #tpu.memory_space<vmem>> -> memref<1x1x80xi32, #tpu.memory_space<vmem>>
    %dma_wait3A_28 = tpu.memref_squeeze %dma_wait3A_27 : memref<1x1x80xi32, #tpu.memory_space<vmem>> -> memref<80xi32, #tpu.memory_space<vmem>>
    %dma_wait3A_29 = arith.constant 0 : i32
    %dma_wait3A_30 = arith.constant 0 : i32
    %dma_wait3A_31 = tpu.memref_slice %arg3[%dma_wait3A_29, %dma_wait3A_30] : memref<5120x512xf32, #tpu.memory_space<hbm>> -> memref<5120x512xf32, #tpu.memory_space<hbm>>
    tpu.wait_indirect_dma semaphore(%arg8 : memref<!tpu.dma_semaphore, #tpu.memory_space<semaphore_mem>>) src(%dma_wait3A_31 : memref<5120x512xf32, #tpu.memory_space<hbm>>) dst(%arg6 : memref<80x512xf32, #tpu.memory_space<vmem>>)
    %add3A_32 = arith.constant 6240 : i32
    %add3A_33 = arith.addi %mul3A_2, %add3A_32 : i32
    %dma_start3A_34 = arith.constant 0 : i32
    %dma_start3A_35 = tpu.memref_slice %arg4[%add3A_33, %dma_start3A_34] : memref<204800x512xf32, #tpu.memory_space<hbm>> -> memref<80x512xf32, #tpu.memory_space<hbm>>
    %dma_start3A_36 = arith.constant 0 : i32
    %dma_start3A_37 = tpu.memref_slice %arg4[%add3A_33, %dma_start3A_36] : memref<204800x512xf32, #tpu.memory_space<hbm>> -> memref<80x512xf32, #tpu.memory_space<hbm>>
    tpu.enqueue_dma source(%arg6 : memref<80x512xf32, #tpu.memory_space<vmem>>) target(%dma_start3A_37 : memref<80x512xf32, #tpu.memory_space<hbm>>) target_semaphore(%arg10 : memref<!tpu.dma_semaphore, #tpu.memory_space<semaphore_mem>>)
    %dma_wait3A_38 = arith.constant 0 : i32
    %dma_wait3A_39 = arith.constant 0 : i32
    %dma_wait3A_40 = arith.constant 0 : i32
    %dma_wait3A_41 = tpu.memref_slice %arg5[%dma_wait3A_38, %dma_wait3A_39, %dma_wait3A_40] : memref<80x1x80xi32, #tpu.memory_space<vmem>> -> memref<1x1x80xi32, #tpu.memory_space<vmem>>
    %dma_wait3A_42 = tpu.memref_squeeze %dma_wait3A_41 : memref<1x1x80xi32, #tpu.memory_space<vmem>> -> memref<80xi32, #tpu.memory_space<vmem>>
    %dma_wait3A_43 = arith.constant 0 : i32
    %dma_wait3A_44 = arith.constant 0 : i32
    %dma_wait3A_45 = tpu.memref_slice %arg3[%dma_wait3A_43, %dma_wait3A_44] : memref<5120x512xf32, #tpu.memory_space<hbm>> -> memref<5120x512xf32, #tpu.memory_space<hbm>>
    tpu.wait_indirect_dma semaphore(%arg9 : memref<!tpu.dma_semaphore, #tpu.memory_space<semaphore_mem>>) src(%dma_wait3A_45 : memref<5120x512xf32, #tpu.memory_space<hbm>>) dst(%arg7 : memref<80x512xf32, #tpu.memory_space<vmem>>)
    %add3A_46 = arith.constant 6320 : i32
    %add3A_47 = arith.addi %mul3A_2, %add3A_46 : i32
    %dma_start3A_48 = arith.constant 0 : i32
    %dma_start3A_49 = tpu.memref_slice %arg4[%add3A_47, %dma_start3A_48] : memref<204800x512xf32, #tpu.memory_space<hbm>> -> memref<80x512xf32, #tpu.memory_space<hbm>>
    %dma_start3A_50 = arith.constant 0 : i32
    %dma_start3A_51 = tpu.memref_slice %arg4[%add3A_47, %dma_start3A_50] : memref<204800x512xf32, #tpu.memory_space<hbm>> -> memref<80x512xf32, #tpu.memory_space<hbm>>
    tpu.enqueue_dma source(%arg7 : memref<80x512xf32, #tpu.memory_space<vmem>>) target(%dma_start3A_51 : memref<80x512xf32, #tpu.memory_space<hbm>>) target_semaphore(%arg11 : memref<!tpu.dma_semaphore, #tpu.memory_space<semaphore_mem>>)
    %dma_wait3A_52 = arith.constant 0 : i32
    %dma_wait3A_53 = tpu.memref_slice %arg4[%mul3A_2, %dma_wait3A_52] : memref<204800x512xf32, #tpu.memory_space<hbm>> -> memref<80x512xf32, #tpu.memory_space<hbm>>
    %dma_wait3A_54 = arith.constant 0 : i32
    %dma_wait3A_55 = tpu.memref_slice %arg4[%mul3A_2, %dma_wait3A_54] : memref<204800x512xf32, #tpu.memory_space<hbm>> -> memref<80x512xf32, #tpu.memory_space<hbm>>
    tpu.wait_dma2 semaphore(%arg10 : memref<!tpu.dma_semaphore, #tpu.memory_space<semaphore_mem>>) src(%arg6 : memref<80x512xf32, #tpu.memory_space<vmem>>) dst(%dma_wait3A_55 : memref<80x512xf32, #tpu.memory_space<hbm>>)
    %dma_wait3A_56 = arith.constant 0 : i32
    %dma_wait3A_57 = tpu.memref_slice %arg4[%mul3A_2, %dma_wait3A_56] : memref<204800x512xf32, #tpu.memory_space<hbm>> -> memref<80x512xf32, #tpu.memory_space<hbm>>
    %dma_wait3A_58 = arith.constant 0 : i32
    %dma_wait3A_59 = tpu.memref_slice %arg4[%mul3A_2, %dma_wait3A_58] : memref<204800x512xf32, #tpu.memory_space<hbm>> -> memref<80x512xf32, #tpu.memory_space<hbm>>
    tpu.wait_dma2 semaphore(%arg11 : memref<!tpu.dma_semaphore, #tpu.memory_space<semaphore_mem>>) src(%arg7 : memref<80x512xf32, #tpu.memory_space<vmem>>) dst(%dma_wait3A_59 : memref<80x512xf32, #tpu.memory_space<hbm>>)
    return
  }
}

</mosaic_0001>

<sc_bundles>
// kernel: kernel.3.cloned.1.call-start
scs
__scs_entry_jumppad:
0x0: {  	(pc) =	sbr.rel $0x88, $3  }
0x1: {  	(tag) =	ssettag $0x0;
	lr =	simm.s32 $0x1  }
0x2: {  	[smem:$0x3F9F] =	sst lr;
	_ =	strace $0xD0000000  }
0x3: {  	_ = 	snop  }
0x4: {  	_ = 	snop  }
0x5: {  	_ = 	snop  }
0x6: {  	_ = 	snop  }
0x7: {  	_ = 	snop  }
__scs_overlays_trampoline_lowered:
0x8: {  	[smem:$0x3FAE] =	sst s0  }
0x9: {  	[smem:$0x3FAF] =	sst s1  }
0xa: {  	[smem:$0x3FB0] =	sst s2  }
0xb: {  	[smem:$0x3FB1] =	sst s3  }
0xc: {  	[smem:$0x3FB2] =	sst s4  }
0xd: {  	[smem:$0x3FB3] =	sst s5  }
0xe: {  	[smem:$0x3FB4] =	sst s6  }
0xf: {  	[smem:$0x3FB5] =	sst s7  }
0x10: {  	[smem:$0x3FB6] =	sst s8  }
0x11: {  	[smem:$0x3FB7] =	sst s9;
	s0 =	simm.s32 @!p0 $0x0  }
0x12: {  	s1 =	sld [smem:$0x3F9D];
	s0 =	simm.s32 @p0 $0x1  }
0x13: {  	[smem:$0x3FB8] =	sst s0;
	s0 =	simm.s32 @!p1 $0x0  }
0x14: {  	s2 =	sld [smem:$0x3F9C];
	s0 =	simm.s32 @p1 $0x1  }
0x15: {  	[smem:$0x3FB9] =	sst s0;
	s0 =	simm.s32 @!p2 $0x0  }
0x16: {  	s3 =	sld [smem:$0x3FDB];
	s0 =	simm.s32 @p2 $0x1  }
0x17: {  	s4 =	simm.s32 $0x1BF5;
	[smem:$0x3FBB] =	sst s0  }
0x18: {  	s0 =	sld [smem:$0x3F9E];
	_ =	swait.ge [sflag:s4], $0x0  }
0x19: {  	s7 =	sld [smem:$0x3F9F]  }
0x1a: {  	s8 =	sadd.s32 $0xFFFFE003, lr  }
0x1b: {  	s9 =	sadd.s32 $0xFFFFFEF7, lr;
	s5 =	simm.s32 $0xFFFFFFFF;
	p2 =	slt.u32 s8, $0xFFFFF086  }
0x1c: {  	p1 =	slt.u32 s9, $0xF7A;
	s5 =	simm.s32 @!p2 $0x0  }
0x1d: {  	s5 =	simm.s32 @p1 $0x1;
	p0 =	seq.s32 s7, s2  }
0x1e: {  	s7 =	smul.u32 @!p0 $0xF7A, s2;
	p2 =	seq.s32 @!p0 s5, $0x0  }
0x1f: {  	s9 =	smul.u32 $0xF7A, s1;
	s8 =	simm.s32 @!p0 $0x1BF5;
	p2 =	por !p2, p0  }
0x20: {  	[sflag:s8] =	ssyncset.s32 @!p0 $0xFFFFF086;
	s6 =	sadd.s32 @!p0 s3, s7;
	s7 =	simm.s32 @!p0 $0x108  }
0x21: {  	s3 =	sadd.s32 s3, s9;
	s6 =	sadd.s32 @!p0 $0x88, s6;
	s7 =	simm.s32 @p2 $0x1082  }
0x22: {  	[simem:s7], [sflag:s8] =	dma.local @!p0 [hbm:s6], $0xF7A  }
0x23: {  	s9 =	sor.u32 $0xD0000000, s2;
	s6 =	simm.s32 $0x108;
	_ =	swait.ge @!p0 [sflag:s8], $0x0  }
0x24: {  	s3 =	sadd.s32 $0x88, s3;
	s6 =	simm.s32 @!p1 $0x1082;
	[sflag:s4] =	ssyncset.s32 $0xFFFFF086  }
0x25: {  	[simem:s6], [sflag:s4] =	dma.local [hbm:s3], $0xF7A  }
0x26: {  	[smem:$0x3F9F] =	sst s1;
	(tag) =	ssettag s2;
	_ =	strace s9  }
0x27: {  	s1 =	sld [smem:$0x3FAF]  }
0x28: {  	s2 =	sld [smem:$0x3FB0]  }
0x29: {  	s4 =	sld [smem:$0x3FB2]  }
0x2a: {  	p0 =	seq.s32 s5, $0x0;
	s5 =	sld [smem:$0x3FB3]  }
0x2b: {  	s6 =	sld [smem:$0x3FB4]  }
0x2c: {  	s7 =	sld [smem:$0x3FB5]  }
0x2d: {  	s3 =	simm.s32 $0x108;
	s8 =	sld [smem:$0x3FB6]  }
0x2e: {  	s3 =	simm.s32 @!p0 $0x1082;
	s9 =	sld [smem:$0x3FB7]  }
0x2f: {  	lr =	sadd.s32 s0, s3;
	s0 =	sld [smem:$0x3FAE]  }
0x30: {  	s3 =	sld [smem:$0x3FB1]  }
0x31: {  	[smem:$0x3FBA] =	sst s10  }
0x32: {  	s10 =	sld [smem:$0x3FB8];
	_ =	sdelay $0x3  }
0x33: {  	p0 =	seq.s32 s10, $0x1;
	s10 =	sld [smem:$0x3FBA];
	_ =	sdelay $0x3  }
0x34: {  	[smem:$0x3FBA] =	sst s10  }
0x35: {  	s10 =	sld [smem:$0x3FB9];
	_ =	sdelay $0x3  }
0x36: {  	p1 =	seq.s32 s10, $0x1;
	s10 =	sld [smem:$0x3FBA];
	_ =	sdelay $0x3  }
0x37: {  	[smem:$0x3FBA] =	sst s10  }
0x38: {  	s10 =	sld [smem:$0x3FBB]  }
0x39: {  	_ = 	snop;
	(pc) =	sbr.ind lr, $3  }
0x3a: {  	_ = 	snop  }
0x3b: {  	_ = 	snop  }
0x3c: {  	p2 =	seq.s32 s10, $0x1;
	s10 =	sld [smem:$0x3FBA]  }
0x3d: {  	_ =	shalt  }
0x3e: {  	_ =	shalt  }
0x3f: {  	_ =	shalt  }
0x40: {  	_ =	shalt  }
0x41: {  	_ =	shalt  }
0x42: {  	_ =	shalt  }
0x43: {  	_ =	shalt  }
0x44: {  	_ =	shalt  }
0x45: {  	_ =	shalt  }
0x46: {  	_ =	shalt  }
0x47: {  	_ =	shalt  }
0x48: {  	_ =	shalt  }
0x49: {  	_ =	shalt  }
0x4a: {  	_ =	shalt  }
0x4b: {  	_ =	shalt  }
0x4c: {  	_ =	shalt  }
0x4d: {  	_ =	shalt  }
0x4e: {  	_ =	shalt  }
0x4f: {  	_ =	shalt  }
0x50: {  	_ =	shalt  }
0x51: {  	_ =	shalt  }
0x52: {  	_ =	shalt  }
0x53: {  	_ =	shalt  }
0x54: {  	_ =	shalt  }
0x55: {  	_ =	shalt  }
0x56: {  	_ =	shalt  }
0x57: {  	_ =	shalt  }
0x58: {  	_ =	shalt  }
0x59: {  	_ =	shalt  }
0x5a: {  	_ =	shalt  }
0x5b: {  	_ =	shalt  }
0x5c: {  	_ =	shalt  }
0x5d: {  	_ =	shalt  }
0x5e: {  	_ =	shalt  }
0x5f: {  	_ =	shalt  }
0x60: {  	_ =	shalt  }
0x61: {  	_ =	shalt  }
0x62: {  	_ =	shalt  }
0x63: {  	_ =	shalt  }
0x64: {  	_ =	shalt  }
0x65: {  	_ =	shalt  }
0x66: {  	_ =	shalt  }
0x67: {  	_ =	shalt  }
0x68: {  	_ =	shalt  }
0x69: {  	_ =	shalt  }
0x6a: {  	_ =	shalt  }
0x6b: {  	_ =	shalt  }
0x6c: {  	_ =	shalt  }
0x6d: {  	_ =	shalt  }
0x6e: {  	_ =	shalt  }
0x6f: {  	_ =	shalt  }
0x70: {  	_ =	shalt  }
0x71: {  	_ =	shalt  }
0x72: {  	_ =	shalt  }
0x73: {  	_ =	shalt  }
0x74: {  	_ =	shalt  }
0x75: {  	_ =	shalt  }
0x76: {  	_ =	shalt  }
0x77: {  	_ =	shalt  }
0x78: {  	_ =	shalt  }
0x79: {  	_ =	shalt  }
0x7a: {  	_ =	shalt  }
0x7b: {  	_ =	shalt  }
0x7c: {  	_ =	shalt  }
0x7d: {  	_ =	shalt  }
0x7e: {  	_ =	shalt  }
0x7f: {  	_ =	shalt  }
0x80: {  	_ =	shalt  }
0x81: {  	_ =	shalt  }
0x82: {  	_ =	shalt  }
0x83: {  	_ =	shalt  }
0x84: {  	_ =	shalt  }
0x85: {  	_ =	shalt  }
0x86: {  	_ =	shalt  }
0x87: {  	_ =	shalt  }
.Lfunc_end0:
.L_simem_size_0:
called_computation.1_lowered:
.L_overlay_start_0:
0x88: {  	s2 =	sld [smem:$0x3FD9]  }
0x89: {  	s3 =	sld [smem:$0x3FFE];
	_ =	sdelay $0x1  }
0x8a: {  	s1 =	srdreg.scid  }
0x8b: {  	s0 =	sand.u32 $0x1, s1  }
0x8c: {  	s17 =	sshll.u32 s0, $0xA;
	s2 =	sadd.s32 s3, s2  }
0x8d: {  	s2 =	sadd.s32 s2, s17  }
0x8e: {  	[smem:$0x3FC6] =	sst s2  }
0x8f: {  	_ = 	snop  }
0x90: {  	s2 =	sld [smem:$0x3FC8]  }
0x91: {  	s18 =	sld [smem:$0x3FD0];
	(tm) =	ssettm $0x1  }
0x92: {  	s4 =	sld [smem:$0x3FFB];
	_ =	sdelay $0x3  }
0x93: {  	_ =	strace s4  }
0x94: {  	s4 =	sld [smem:$0x3FFC];
	_ =	sdelay $0x3  }
0x95: {  	_ =	strace s4  }
0x96: {  	s4 =	sld [smem:$0x3FFD];
	_ =	sdelay $0x3  }
0x97: {  	_ =	strace s4  }
0x98: {  	_ =	strace $0x8FFFFFFF  }
0x99: {  	s19 =	sld [smem:$0x3FDB];
	_ =	sdelay $0x1  }
0x9a: {  	s5 =	simm.s32 $_scs_section_size  }
0x9b: {  	s6 =	simm.s32 $_size__tile_overlayer_lowered;
	s7 =	simm.s32 $_tile_overlayer_lowered  }
0x9c: {  	s22 =	simm.s32 $0x1BFF;
	s21 =	sshll.u32 s7, $0x1;
	s4 =	sadd.s32 s5, s19  }
0x9d: {  	s8 =	simm.s32 $0x0;
	s20 =	sshll.u32 s6, $0x1;
	s6 =	sadd.s32 s21, s4  }
0x9e: {  	[timem:s8], [sflag:s22] =	dma.local [hbm:s6], s20  }
0x9f: {  	_ =	swait.ge [sflag:s22], s20  }
0xa0: {  	s5 =	ssub.s32 $0x0, s20;
	[sflag:s22] =	ssyncset.done $0x0  }
0xa1: {  	[sflag:s22] =	ssyncadd.s32 s5;
	_ =	sdelay $0x1  }
0xa2: {  	s23 =	simm.s32 $0x1B8B  }
0xa3: {  	_ =	swait.ge [sflag:s23], $0x1  }
0xa4: {  	[sflag:s23] =	ssyncset.done $0x0  }
0xa5: {  	s25 =	simm.s32 $0x1B8E;
	s24 =	sld [smem:$0x3FFE];
	[sflag:s23] =	ssyncadd.s32 $0xFFFFFFFF  }
0xa6: {  	s26 =	simm.s32 $execute0_lowered;
	[smem:$0x3FD2] =	sst s25  }
0xa7: {  	s6 =	sshll.u32 s26, $0x1;
	_ =	strace $0x80000046;
	[dreg:$0x1] =	wrdreg $0xFFFFFFFF  }
0xa8: {  	s28 =	simm.s32 $_size_execute0_lowered;
	s4 =	sadd.s32 s4, s6;
	[dreg:$0x0] =	wrdreg $0x0  }
0xa9: {  	s6 =	sshll.u32 s28, $0x1;
	[dreg:$0x2] =	wrdreg s4  }
0xaa: {  	[dreg:$0x3] =	wrdreg s6  }
0xab: {  	[dreg:$0x4] =	wrdreg $0xC0  }
0xac: {  	_ =	task [dreg:s8], $0x5FFFF  }
0xad: {  	[dreg:$0x1] =	wrdreg $0xFFFFFFFF  }
0xae: {  	[dreg:$0x0] =	wrdreg $0x60  }
0xaf: {  	[dreg:$0x2] =	wrdreg s24  }
0xb0: {  	[dreg:$0x3] =	wrdreg s2  }
0xb1: {  	[dreg:$0x4] =	wrdreg s18  }
0xb2: {  	[dreg:$0x5] =	wrdreg $0x9  }
0xb3: {  	_ =	task.clear_ibuf [dreg:s8], $0x6FFFF;
	_ =	strace $0x90000046  }
0xb4: {  	s29 =	simm.s32 $0x9;
	_ =	strace $0x80000048  }
0xb5: {  	_ =	swait.ge [sflag:s29], $0x1  }
0xb6: {  	[sflag:s29] =	ssyncadd.s32 $0xFFFFFFFF  }
0xb7: {  	_ =	strace $0x90000048  }
0xb8: {  	_ =	sfence  }
0xb9: {  	s30 =	sld [smem:$0x0];
	_ =	sdelay $0x2  }
0xba: {  	s31 =	sshll.u32 s1, $0xD;
	s1 =	sshrl.u32 s1, $0x2  }
0xbb: {  	s3 =	sand.u32 $0x4000, s31;
	s1 =	sadd.s32 s1, s30  }
0xbc: {  	s0 =	sor.u32 s3, s0;
	s1 =	sshll.u32 s1, $0x11  }
0xbd: {  	s0 =	sor.u32 s1, s0  }
0xbe: {  	s0 =	sadd.s32 $0x8F2B, s0  }
0xbf: {  	[sflag:s0] =	ssyncadd.remote.s32 $0x1  }
0xc0: {  	_ =	sfence.sel $0xFFFF  }
0xc1: {  	[dreg:$0x0] =	wrdreg $0xFFFFFFFF;
	(pc) =	sbr.abs _section_cstart, $3  }
0xc2: {  	[dreg:$0x1] =	wrdreg $0xFFFFFFFF  }
0xc3: {  	_ =	task.clear_ibuf [dreg:s8], $0x2FFFF;
	_ =	strace $0x9FFFFFFF  }
0xc4: {  	(tm) =	ssettm $0x7FFFFFFF  }
0xc5: {  	_ =	shalt  }
tec
execute0_lowered:
.L_overlay_start_1:
0x0: {  	(tag) =	ssettag $0x1  }
0x1: {  	s0 =	rddreg [dreg:$0x0]  }
0x2: {  	s2 =	rddreg [dreg:$0x1];
	s1 =	srdreg.scid  }
0x3: {  	s9 =	stileid.u32;
	s4 =	rddreg [dreg:$0x2]  }
0x4: {  	s3 =	simm.s32 $0x0;
	s31 =	simm.s32 $0x2800;
	s29 =	simm.s32 $0x3000  }
0x5: {  	s11 =	simm.s32 $0x6800;
	s12 =	simm.s32 $0x7000;
	s13 =	simm.s32 $0x7800  }
0x6: {  	s14 =	simm.s32 $0x8000;
	s15 =	simm.s32 $0x8800;
	s16 =	simm.s32 $0x9000  }
0x7: {  	s17 =	simm.s32 $0x9800;
	s18 =	simm.s32 $0xA000;
	s19 =	simm.s32 $0xA800  }
0x8: {  	s20 =	simm.s32 $0xB000;
	s21 =	simm.s32 $0xB800;
	s30 =	simm.s32 $0xD000  }
0x9: {  	s10 =	simm.s32 $0xD800;
	s1 =	sand.u32 $0x1, s1;
	s5 =	sshll.u32 s9, $0x1  }
0xa: {  	[smem:$0x7FF] =	sst s3;
	s23 =	smul.u32 $0xC8000, s9;
	s5 =	sor.u32 s1, s5  }
0xb: {  	s9 =	simm.s32 $0x6000;
	s7 =	ssub.s32 $0x2, s1;
	s6 =	smul.u32 $0x500, s5  }
0xc: {  	_ =	strace $0x80000047;
	s8 =	sshrl.u32 s7, $0x1;
	s5 =	smul.u32 $0x320000, s5  }
0xd: {  	s1 =	smul.u32 $0x64000, s1;
	s22 =	ssub.s32 s7, s8;
	s7 =	simm.s32 $0x5000  }
0xe: {  	s8 =	simm.s32 $0x5800;
	s0 =	sadd.s32 s6, s0;
	s24 =	sshrl.u32 s5, $0x3  }
0xf: {  	s5 =	sadd.s32 $0x100, s2;
	s28 =	smax.u32 s22, $0x1;
	s6 =	simm.s32 $0x4800  }
0x10: {  	s22 =	simm.s32 $0xC000;
	s0 =	sadd.s32 $0x800, s0;
	[dreg:$0x8] =	wrdreg s28  }
0x11: {  	s28 =	simm.s32 $0x0;
	[dreg:$0x5] =	wrdreg s0;
	s0 =	sadd.s32 s4, s24  }
0x12: {  	s4 =	sadd.s32 s23, s4;
	[dreg:$0x9] =	wrdreg s28;
	s25 =	sadd.s32 $0x61800, s0  }
0x13: {  	s23 =	simm.s32 $0x1;
	s0 =	sadd.s32 $0x62C00, s0;
	[dreg:$0x6] =	wrdreg s25  }
0x14: {  	v2 =	vlaneseq.u32;
	s24 =	simm.s32 $0x3;
	s26 =	sadd.s32 s1, s4;
	[dreg:$0x7] =	wrdreg s0  }
0x15: {  	vm0 =	vmmov $0xffff;
	v1 =	vshrl.u32 v2, $0x3;
	s4 =	simm.s32 $0x4000;
	s1 =	simm.s32 $0xC800;
	[dreg:$0x4] =	wrdreg s26  }
0x16: {  	v0 =	vand.u32 $0x7, v2;
	v2 =	vor.u32 $0x8, v2;
	v1 =	vmul.u32 $0x8, v1;
	s0 =	simm.s32 $0x3800;
	s25 =	simm.s32 $0x2;
	s26 =	simm.s32 $0x4  }
.LBB2_1:
0x17: {  	s28 =	rddreg [dreg:$0x5]  }
0x18: {  	[tilespmem:s3], [sflag:$0x5] =	stream.linear.gather [hbm4b:s28+s3], $0x2800, $0x38;
	[tilespmem:$0x16800] =	vst v63  }
0x19: {  	s28 =	simm.s32 $0x5  }
0x1a: {  	_ =	swait.ge [sflag:s28], $0x2800  }
0x1b: {  	[sflag:s28] =	ssyncset.done $0x0  }
0x1c: {  	[sflag:s28] =	ssyncadd.s32 $0xFFFFD800  }
0x1d: {  	v3 =	vld [tilespmem:$0x0];
	_ =	sdelay $0x4  }
0x1e: {  	v4 =	vshll.u32 v3, $0x2  }
0x1f: {  	v3 =	vand.u32 $0x7, v3;
	v4 =	vand.u32 $0xFFFFFFE0, v4  }
0x20: {  	v3 =	vor.u32 v3, v4  }
0x21: {  	v4 =	vperm.xlane v3, v0;
	_ =	sdelay $0x1  }
0x22: {  	v4 =	vadd.s32 v1, v4;
	_ =	sdelay $0x1  }
0x23: {  	v3 =	vperm.xlane v3, v2;
	_ =	sdelay $0x1  }
0x24: {  	v3 =	vadd.s32 v1, v3  }
0x25: {  	[tilespmem:s31], [sflag:$0x1] =	stream.indirect_vreg.gather [hbm4b:s2+s3], $0x80, v4, vm0, $0xb8;
	[tilespmem:$0x16800] =	vst v63  }
0x26: {  	_ = 	snop  }
0x27: {  	[tilespmem:s29], [sflag:$0x1] =	stream.indirect_vreg.gather [hbm4b:s5+s3], $0x80, v4, vm0, $0xb8;
	[tilespmem:$0x16800] =	vst v63  }
0x28: {  	_ = 	snop  }
0x29: {  	[tilespmem:s0], [sflag:$0x1] =	stream.indirect_vreg.gather [hbm4b:s2+s3], $0x80, v3, vm0, $0xb8;
	[tilespmem:$0x16800] =	vst v63  }
0x2a: {  	_ = 	snop  }
0x2b: {  	[tilespmem:s4], [sflag:$0x1] =	stream.indirect_vreg.gather [hbm4b:s5+s3], $0x80, v3, vm0, $0xb8;
	[tilespmem:$0x16800] =	vst v63  }
0x2c: {  	v3 =	vld [tilespmem:$0x10];
	_ =	sdelay $0x4  }
0x2d: {  	v55 =	vshll.u32 v3, $0x2  }
0x2e: {  	v3 =	vand.u32 $0x7, v3;
	v4 =	vand.u32 $0xFFFFFFE0, v55  }
0x2f: {  	v3 =	vor.u32 v3, v4  }
0x30: {  	v4 =	vperm.xlane v3, v0;
	_ =	sdelay $0x1  }
0x31: {  	v4 =	vadd.s32 v1, v4;
	_ =	sdelay $0x1  }
0x32: {  	v3 =	vperm.xlane v3, v2;
	_ =	sdelay $0x1  }
0x33: {  	v3 =	vadd.s32 v1, v3  }
0x34: {  	[tilespmem:s6], [sflag:$0x1] =	stream.indirect_vreg.gather [hbm4b:s2+s3], $0x80, v4, vm0, $0xb8;
	[tilespmem:$0x16800] =	vst v63  }
0x35: {  	_ = 	snop  }
0x36: {  	[tilespmem:s7], [sflag:$0x1] =	stream.indirect_vreg.gather [hbm4b:s5+s3], $0x80, v4, vm0, $0xb8;
	[tilespmem:$0x16800] =	vst v63  }
0x37: {  	_ = 	snop  }
0x38: {  	[tilespmem:s8], [sflag:$0x1] =	stream.indirect_vreg.gather [hbm4b:s2+s3], $0x80, v3, vm0, $0xb8;
	[tilespmem:$0x16800] =	vst v63  }
0x39: {  	_ = 	snop  }
0x3a: {  	[tilespmem:s9], [sflag:$0x1] =	stream.indirect_vreg.gather [hbm4b:s5+s3], $0x80, v3, vm0, $0xb8;
	[tilespmem:$0x16800] =	vst v63  }
0x3b: {  	v3 =	vld [tilespmem:$0x20];
	_ =	sdelay $0x4  }
0x3c: {  	v56 =	vshll.u32 v3, $0x2  }
0x3d: {  	v3 =	vand.u32 $0x7, v3;
	v4 =	vand.u32 $0xFFFFFFE0, v56  }
0x3e: {  	v3 =	vor.u32 v3, v4  }
0x3f: {  	v4 =	vperm.xlane v3, v0;
	_ =	sdelay $0x1  }
0x40: {  	v4 =	vadd.s32 v1, v4;
	_ =	sdelay $0x1  }
0x41: {  	v3 =	vperm.xlane v3, v2;
	_ =	sdelay $0x1  }
0x42: {  	v3 =	vadd.s32 v1, v3  }
0x43: {  	[tilespmem:s11], [sflag:$0x1] =	stream.indirect_vreg.gather [hbm4b:s2+s3], $0x80, v4, vm0, $0xb8;
	[tilespmem:$0x16800] =	vst v63  }
0x44: {  	_ = 	snop  }
0x45: {  	[tilespmem:s12], [sflag:$0x1] =	stream.indirect_vreg.gather [hbm4b:s5+s3], $0x80, v4, vm0, $0xb8;
	[tilespmem:$0x16800] =	vst v63  }
0x46: {  	_ = 	snop  }
0x47: {  	[tilespmem:s13], [sflag:$0x1] =	stream.indirect_vreg.gather [hbm4b:s2+s3], $0x80, v3, vm0, $0xb8;
	[tilespmem:$0x16800] =	vst v63  }
0x48: {  	_ = 	snop  }
0x49: {  	[tilespmem:s14], [sflag:$0x1] =	stream.indirect_vreg.gather [hbm4b:s5+s3], $0x80, v3, vm0, $0xb8;
	[tilespmem:$0x16800] =	vst v63  }
0x4a: {  	v3 =	vld [tilespmem:$0x30];
	_ =	sdelay $0x4  }
0x4b: {  	v57 =	vshll.u32 v3, $0x2  }
0x4c: {  	v3 =	vand.u32 $0x7, v3;
	v4 =	vand.u32 $0xFFFFFFE0, v57  }
0x4d: {  	v3 =	vor.u32 v3, v4  }
0x4e: {  	v4 =	vperm.xlane v3, v0;
	_ =	sdelay $0x1  }
0x4f: {  	v4 =	vadd.s32 v1, v4;
	_ =	sdelay $0x1  }
0x50: {  	v3 =	vperm.xlane v3, v2;
	_ =	sdelay $0x1  }
0x51: {  	v3 =	vadd.s32 v1, v3  }
0x52: {  	[tilespmem:s15], [sflag:$0x1] =	stream.indirect_vreg.gather [hbm4b:s2+s3], $0x80, v4, vm0, $0xb8;
	[tilespmem:$0x16800] =	vst v63  }
0x53: {  	_ = 	snop  }
0x54: {  	[tilespmem:s16], [sflag:$0x1] =	stream.indirect_vreg.gather [hbm4b:s5+s3], $0x80, v4, vm0, $0xb8;
	[tilespmem:$0x16800] =	vst v63  }
0x55: {  	_ = 	snop  }
0x56: {  	[tilespmem:s17], [sflag:$0x1] =	stream.indirect_vreg.gather [hbm4b:s2+s3], $0x80, v3, vm0, $0xb8;
	[tilespmem:$0x16800] =	vst v63  }
0x57: {  	_ = 	snop  }
0x58: {  	[tilespmem:s18], [sflag:$0x1] =	stream.indirect_vreg.gather [hbm4b:s5+s3], $0x80, v3, vm0, $0xb8;
	[tilespmem:$0x16800] =	vst v63  }
0x59: {  	v3 =	vld [tilespmem:$0x40];
	_ =	sdelay $0x4  }
0x5a: {  	v58 =	vshll.u32 v3, $0x2  }
0x5b: {  	v3 =	vand.u32 $0x7, v3;
	v4 =	vand.u32 $0xFFFFFFE0, v58  }
0x5c: {  	v3 =	vor.u32 v3, v4  }
0x5d: {  	v4 =	vperm.xlane v3, v0;
	_ =	sdelay $0x1  }
0x5e: {  	v4 =	vadd.s32 v1, v4;
	_ =	sdelay $0x1  }
0x5f: {  	v3 =	vperm.xlane v3, v2;
	_ =	sdelay $0x1  }
0x60: {  	v3 =	vadd.s32 v1, v3  }
0x61: {  	[tilespmem:s19], [sflag:$0x1] =	stream.indirect_vreg.gather [hbm4b:s2+s3], $0x80, v4, vm0, $0xb8;
	[tilespmem:$0x16800] =	vst v63  }
0x62: {  	_ = 	snop  }
0x63: {  	[tilespmem:s20], [sflag:$0x1] =	stream.indirect_vreg.gather [hbm4b:s5+s3], $0x80, v4, vm0, $0xb8;
	[tilespmem:$0x16800] =	vst v63  }
0x64: {  	_ = 	snop  }
0x65: {  	[tilespmem:s21], [sflag:$0x1] =	stream.indirect_vreg.gather [hbm4b:s2+s3], $0x80, v3, vm0, $0xb8;
	[tilespmem:$0x16800] =	vst v63  }
0x66: {  	_ = 	snop  }
0x67: {  	[tilespmem:s22], [sflag:$0x1] =	stream.indirect_vreg.gather [hbm4b:s5+s3], $0x80, v3, vm0, $0xb8;
	[tilespmem:$0x16800] =	vst v63  }
0x68: {  	v3 =	vld [tilespmem:$0x80];
	_ =	sdelay $0x4  }
0x69: {  	v59 =	vshll.u32 v3, $0x2  }
0x6a: {  	v3 =	vand.u32 $0x7, v3;
	v4 =	vand.u32 $0xFFFFFFE0, v59  }
0x6b: {  	v3 =	vor.u32 v3, v4  }
0x6c: {  	v4 =	vperm.xlane v3, v0;
	_ =	sdelay $0x1  }
0x6d: {  	v4 =	vadd.s32 v1, v4;
	_ =	sdelay $0x1  }
0x6e: {  	v3 =	vperm.xlane v3, v2;
	_ =	sdelay $0x1  }
0x6f: {  	v3 =	vadd.s32 v1, v3  }
0x70: {  	[tilespmem:s1], [sflag:$0x2] =	stream.indirect_vreg.gather [hbm4b:s2+s3], $0x80, v4, vm0, $0xb8;
	[tilespmem:$0x16800] =	vst v63  }
0x71: {  	_ = 	snop  }
0x72: {  	[tilespmem:s30], [sflag:$0x2] =	stream.indirect_vreg.gather [hbm4b:s5+s3], $0x80, v4, vm0, $0xb8;
	[tilespmem:$0x16800] =	vst v63  }
0x73: {  	_ = 	snop  }
0x74: {  	[tilespmem:s10], [sflag:$0x2] =	stream.indirect_vreg.gather [hbm4b:s2+s3], $0x80, v3, vm0, $0xb8;
	[tilespmem:$0x16800] =	vst v63  }
0x75: {  	s10 =	simm.s32 $0xE000  }
0x76: {  	[tilespmem:s10], [sflag:$0x2] =	stream.indirect_vreg.gather [hbm4b:s5+s3], $0x80, v3, vm0, $0xb8;
	[tilespmem:$0x16800] =	vst v63  }
0x77: {  	v3 =	vld [tilespmem:$0x90];
	_ =	sdelay $0x4  }
0x78: {  	v60 =	vshll.u32 v3, $0x2  }
0x79: {  	v3 =	vand.u32 $0x7, v3;
	v4 =	vand.u32 $0xFFFFFFE0, v60  }
0x7a: {  	v3 =	vor.u32 v3, v4  }
0x7b: {  	v4 =	vperm.xlane v3, v0;
	_ =	sdelay $0x1  }
0x7c: {  	v4 =	vadd.s32 v1, v4;
	_ =	sdelay $0x1  }
0x7d: {  	v3 =	vperm.xlane v3, v2;
	_ =	sdelay $0x1  }
0x7e: {  	s11 =	simm.s32 $0xE800;
	v3 =	vadd.s32 v1, v3  }
0x7f: {  	[tilespmem:s11], [sflag:$0x2] =	stream.indirect_vreg.gather [hbm4b:s2+s3], $0x80, v4, vm0, $0xb8;
	[tilespmem:$0x16800] =	vst v63  }
0x80: {  	s12 =	simm.s32 $0xF000  }
0x81: {  	[tilespmem:s12], [sflag:$0x2] =	stream.indirect_vreg.gather [hbm4b:s5+s3], $0x80, v4, vm0, $0xb8;
	[tilespmem:$0x16800] =	vst v63  }
0x82: {  	s13 =	simm.s32 $0xF800  }
0x83: {  	[tilespmem:s13], [sflag:$0x2] =	stream.indirect_vreg.gather [hbm4b:s2+s3], $0x80, v3, vm0, $0xb8;
	[tilespmem:$0x16800] =	vst v63  }
0x84: {  	s14 =	simm.s32 $0x10000  }
0x85: {  	[tilespmem:s14], [sflag:$0x2] =	stream.indirect_vreg.gather [hbm4b:s5+s3], $0x80, v3, vm0, $0xb8;
	[tilespmem:$0x16800] =	vst v63  }
0x86: {  	v3 =	vld [tilespmem:$0xA0];
	_ =	sdelay $0x4  }
0x87: {  	v61 =	vshll.u32 v3, $0x2  }
0x88: {  	v3 =	vand.u32 $0x7, v3;
	v4 =	vand.u32 $0xFFFFFFE0, v61  }
0x89: {  	v3 =	vor.u32 v3, v4  }
0x8a: {  	v4 =	vperm.xlane v3, v0;
	_ =	sdelay $0x1  }
0x8b: {  	v4 =	vadd.s32 v1, v4;
	_ =	sdelay $0x1  }
0x8c: {  	v3 =	vperm.xlane v3, v2;
	_ =	sdelay $0x1  }
0x8d: {  	s15 =	simm.s32 $0x10800;
	v3 =	vadd.s32 v1, v3  }
0x8e: {  	[tilespmem:s15], [sflag:$0x2] =	stream.indirect_vreg.gather [hbm4b:s2+s3], $0x80, v4, vm0, $0xb8;
	[tilespmem:$0x16800] =	vst v63  }
0x8f: {  	s16 =	simm.s32 $0x11000  }
0x90: {  	[tilespmem:s16], [sflag:$0x2] =	stream.indirect_vreg.gather [hbm4b:s5+s3], $0x80, v4, vm0, $0xb8;
	[tilespmem:$0x16800] =	vst v63  }
0x91: {  	s17 =	simm.s32 $0x11800  }
0x92: {  	[tilespmem:s17], [sflag:$0x2] =	stream.indirect_vreg.gather [hbm4b:s2+s3], $0x80, v3, vm0, $0xb8;
	[tilespmem:$0x16800] =	vst v63  }
0x93: {  	s18 =	simm.s32 $0x12000  }
0x94: {  	[tilespmem:s18], [sflag:$0x2] =	stream.indirect_vreg.gather [hbm4b:s5+s3], $0x80, v3, vm0, $0xb8;
	[tilespmem:$0x16800] =	vst v63  }
0x95: {  	v3 =	vld [tilespmem:$0xB0];
	_ =	sdelay $0x4  }
0x96: {  	v62 =	vshll.u32 v3, $0x2  }
0x97: {  	v3 =	vand.u32 $0x7, v3;
	v4 =	vand.u32 $0xFFFFFFE0, v62  }
0x98: {  	v3 =	vor.u32 v3, v4  }
0x99: {  	v4 =	vperm.xlane v3, v0;
	_ =	sdelay $0x1  }
0x9a: {  	v4 =	vadd.s32 v1, v4;
	_ =	sdelay $0x1  }
0x9b: {  	v3 =	vperm.xlane v3, v2;
	_ =	sdelay $0x1  }
0x9c: {  	s19 =	simm.s32 $0x12800;
	v3 =	vadd.s32 v1, v3  }
0x9d: {  	[tilespmem:s19], [sflag:$0x2] =	stream.indirect_vreg.gather [hbm4b:s2+s3], $0x80, v4, vm0, $0xb8;
	[tilespmem:$0x16800] =	vst v63  }
0x9e: {  	s20 =	simm.s32 $0x13000  }
0x9f: {  	[tilespmem:s20], [sflag:$0x2] =	stream.indirect_vreg.gather [hbm4b:s5+s3], $0x80, v4, vm0, $0xb8;
	[tilespmem:$0x16800] =	vst v63  }
0xa0: {  	s21 =	simm.s32 $0x13800  }
0xa1: {  	[tilespmem:s21], [sflag:$0x2] =	stream.indirect_vreg.gather [hbm4b:s2+s3], $0x80, v3, vm0, $0xb8;
	[tilespmem:$0x16800] =	vst v63  }
0xa2: {  	s22 =	simm.s32 $0x14000  }
0xa3: {  	[tilespmem:s22], [sflag:$0x2] =	stream.indirect_vreg.gather [hbm4b:s5+s3], $0x80, v3, vm0, $0xb8;
	[tilespmem:$0x16800] =	vst v63  }
0xa4: {  	v3 =	vld [tilespmem:$0xC0];
	_ =	sdelay $0x4  }
0xa5: {  	v63 =	vshll.u32 v3, $0x2  }
0xa6: {  	v3 =	vand.u32 $0x7, v3;
	v4 =	vand.u32 $0xFFFFFFE0, v63  }
0xa7: {  	v3 =	vor.u32 v3, v4  }
0xa8: {  	v4 =	vperm.xlane v3, v0;
	_ =	sdelay $0x1  }
0xa9: {  	s28 =	simm.s32 $0x1C0;
	v4 =	vadd.s32 v1, v4  }
0xaa: {  	s31 =	simm.s32 $0x15000;
	s29 =	simm.s32 $0x0;
	s4 =	simm.s32 $0x16000  }
0xab: {  	s6 =	simm.s32 $0x15800;
	s7 =	simm.s32 $0x5000;
	s8 =	simm.s32 $0x5800;
	v3 =	vperm.xlane v3, v2  }
0xac: {  	s9 =	simm.s32 $0x6000;
	s30 =	simm.s32 $0x14800;
	s10 =	simm.s32 $0xD800  }
0xad: {  	s11 =	simm.s32 $0x6800;
	s12 =	simm.s32 $0x7000;
	s13 =	simm.s32 $0x7800;
	v3 =	vadd.s32 v1, v3  }
0xae: {  	[tilespmem:s30], [sflag:$0x2] =	stream.indirect_vreg.gather [hbm4b:s2+s3], $0x80, v4, vm0, $0xb8;
	[tilespmem:$0x16800] =	vst v63  }
0xaf: {  	s14 =	simm.s32 $0x8000;
	s15 =	simm.s32 $0x8800;
	s16 =	simm.s32 $0x9000  }
0xb0: {  	[tilespmem:s31], [sflag:$0x2] =	stream.indirect_vreg.gather [hbm4b:s5+s3], $0x80, v4, vm0, $0xb8;
	[tilespmem:$0x16800] =	vst v63  }
0xb1: {  	s17 =	simm.s32 $0x9800;
	s18 =	simm.s32 $0xA000;
	s19 =	simm.s32 $0xA800  }
0xb2: {  	[tilespmem:s6], [sflag:$0x2] =	stream.indirect_vreg.gather [hbm4b:s2+s3], $0x80, v3, vm0, $0xb8;
	[tilespmem:$0x16800] =	vst v63  }
0xb3: {  	s20 =	simm.s32 $0xB000;
	s21 =	simm.s32 $0xB800;
	s22 =	simm.s32 $0xC000  }
0xb4: {  	[tilespmem:s4], [sflag:$0x2] =	stream.indirect_vreg.gather [hbm4b:s5+s3], $0x80, v3, vm0, $0xb8;
	[tilespmem:$0x16800] =	vst v63  }
.LBB2_2:
0xb5: {  	_ =	swait.ge [sflag:s23], $0xA000  }
0xb6: {  	s30 =	rddreg [dreg:$0x4];
	[sflag:s23] =	ssyncset.done $0x0  }
0xb7: {  	s1 =	simm.s32 $0x2800;
	[sflag:s23] =	ssyncadd.s32 $0xFFFF6000;
	s30 =	sadd.s32 s29, s30  }
0xb8: {  	[hbm4b:s30+s3] =	stream.linear.scatter [tilespmem:s1], [sflag:$0x3], $0xA000, $0x38;
	[tilespmem:$0x16800] =	vst v63  }
0xb9: {  	_ =	swait.ge [sflag:s24], $0xA000  }
0xba: {  	[sflag:s24] =	ssyncset.done $0x0  }
0xbb: {  	[sflag:s24] =	ssyncadd.s32 $0xFFFF6000  }
0xbc: {  	v3 =	vld [tilespmem:s28+$0xFFFFFF40];
	_ =	sdelay $0x4  }
0xbd: {  	v4 =	vshll.u32 v3, $0x2  }
0xbe: {  	v3 =	vand.u32 $0x7, v3;
	v4 =	vand.u32 $0xFFFFFFE0, v4  }
0xbf: {  	v3 =	vor.u32 v3, v4  }
0xc0: {  	v4 =	vperm.xlane v3, v0;
	_ =	sdelay $0x1  }
0xc1: {  	v4 =	vadd.s32 v1, v4;
	_ =	sdelay $0x1  }
0xc2: {  	v3 =	vperm.xlane v3, v2;
	_ =	sdelay $0x1  }
0xc3: {  	v3 =	vadd.s32 v1, v3  }
0xc4: {  	[tilespmem:s1], [sflag:$0x1] =	stream.indirect_vreg.gather [hbm4b:s2+s3], $0x80, v4, vm0, $0xb8;
	[tilespmem:$0x16800] =	vst v63  }
0xc5: {  	s0 =	simm.s32 $0x3000  }
0xc6: {  	[tilespmem:s0], [sflag:$0x1] =	stream.indirect_vreg.gather [hbm4b:s5+s3], $0x80, v4, vm0, $0xb8;
	[tilespmem:$0x16800] =	vst v63  }
0xc7: {  	s1 =	simm.s32 $0x3800  }
0xc8: {  	[tilespmem:s1], [sflag:$0x1] =	stream.indirect_vreg.gather [hbm4b:s2+s3], $0x80, v3, vm0, $0xb8;
	[tilespmem:$0x16800] =	vst v63  }
0xc9: {  	s1 =	simm.s32 $0x4000  }
0xca: {  	[tilespmem:s1], [sflag:$0x1] =	stream.indirect_vreg.gather [hbm4b:s5+s3], $0x80, v3, vm0, $0xb8;
	[tilespmem:$0x16800] =	vst v63  }
0xcb: {  	v3 =	vld [tilespmem:s28+$0xFFFFFF50];
	_ =	sdelay $0x4  }
0xcc: {  	v55 =	vshll.u32 v3, $0x2  }
0xcd: {  	v3 =	vand.u32 $0x7, v3;
	v4 =	vand.u32 $0xFFFFFFE0, v55  }
0xce: {  	v3 =	vor.u32 v3, v4  }
0xcf: {  	v4 =	vperm.xlane v3, v0;
	_ =	sdelay $0x1  }
0xd0: {  	v4 =	vadd.s32 v1, v4;
	_ =	sdelay $0x1  }
0xd1: {  	v3 =	vperm.xlane v3, v2;
	_ =	sdelay $0x1  }
0xd2: {  	s1 =	simm.s32 $0x4800;
	v3 =	vadd.s32 v1, v3  }
0xd3: {  	[tilespmem:s1], [sflag:$0x1] =	stream.indirect_vreg.gather [hbm4b:s2+s3], $0x80, v4, vm0, $0xb8;
	[tilespmem:$0x16800] =	vst v63  }
0xd4: {  	_ = 	snop  }
0xd5: {  	[tilespmem:s7], [sflag:$0x1] =	stream.indirect_vreg.gather [hbm4b:s5+s3], $0x80, v4, vm0, $0xb8;
	[tilespmem:$0x16800] =	vst v63  }
0xd6: {  	_ = 	snop  }
0xd7: {  	[tilespmem:s8], [sflag:$0x1] =	stream.indirect_vreg.gather [hbm4b:s2+s3], $0x80, v3, vm0, $0xb8;
	[tilespmem:$0x16800] =	vst v63  }
0xd8: {  	_ = 	snop  }
0xd9: {  	[tilespmem:s9], [sflag:$0x1] =	stream.indirect_vreg.gather [hbm4b:s5+s3], $0x80, v3, vm0, $0xb8;
	[tilespmem:$0x16800] =	vst v63  }
0xda: {  	v3 =	vld [tilespmem:s28+$0xFFFFFF60];
	_ =	sdelay $0x4  }
0xdb: {  	v56 =	vshll.u32 v3, $0x2  }
0xdc: {  	v3 =	vand.u32 $0x7, v3;
	v4 =	vand.u32 $0xFFFFFFE0, v56  }
0xdd: {  	v3 =	vor.u32 v3, v4  }
0xde: {  	v4 =	vperm.xlane v3, v0;
	_ =	sdelay $0x1  }
0xdf: {  	v4 =	vadd.s32 v1, v4;
	_ =	sdelay $0x1  }
0xe0: {  	v3 =	vperm.xlane v3, v2;
	_ =	sdelay $0x1  }
0xe1: {  	v3 =	vadd.s32 v1, v3  }
0xe2: {  	[tilespmem:s11], [sflag:$0x1] =	stream.indirect_vreg.gather [hbm4b:s2+s3], $0x80, v4, vm0, $0xb8;
	[tilespmem:$0x16800] =	vst v63  }
0xe3: {  	_ = 	snop  }
0xe4: {  	[tilespmem:s12], [sflag:$0x1] =	stream.indirect_vreg.gather [hbm4b:s5+s3], $0x80, v4, vm0, $0xb8;
	[tilespmem:$0x16800] =	vst v63  }
0xe5: {  	_ = 	snop  }
0xe6: {  	[tilespmem:s13], [sflag:$0x1] =	stream.indirect_vreg.gather [hbm4b:s2+s3], $0x80, v3, vm0, $0xb8;
	[tilespmem:$0x16800] =	vst v63  }
0xe7: {  	_ = 	snop  }
0xe8: {  	[tilespmem:s14], [sflag:$0x1] =	stream.indirect_vreg.gather [hbm4b:s5+s3], $0x80, v3, vm0, $0xb8;
	[tilespmem:$0x16800] =	vst v63  }
0xe9: {  	v3 =	vld [tilespmem:s28+$0xFFFFFF70];
	_ =	sdelay $0x4  }
0xea: {  	v57 =	vshll.u32 v3, $0x2  }
0xeb: {  	v3 =	vand.u32 $0x7, v3;
	v4 =	vand.u32 $0xFFFFFFE0, v57  }
0xec: {  	v3 =	vor.u32 v3, v4  }
0xed: {  	v4 =	vperm.xlane v3, v0;
	_ =	sdelay $0x1  }
0xee: {  	v4 =	vadd.s32 v1, v4;
	_ =	sdelay $0x1  }
0xef: {  	v3 =	vperm.xlane v3, v2;
	_ =	sdelay $0x1  }
0xf0: {  	v3 =	vadd.s32 v1, v3  }
0xf1: {  	[tilespmem:s15], [sflag:$0x1] =	stream.indirect_vreg.gather [hbm4b:s2+s3], $0x80, v4, vm0, $0xb8;
	[tilespmem:$0x16800] =	vst v63  }
0xf2: {  	_ = 	snop  }
0xf3: {  	[tilespmem:s16], [sflag:$0x1] =	stream.indirect_vreg.gather [hbm4b:s5+s3], $0x80, v4, vm0, $0xb8;
	[tilespmem:$0x16800] =	vst v63  }
0xf4: {  	_ = 	snop  }
0xf5: {  	[tilespmem:s17], [sflag:$0x1] =	stream.indirect_vreg.gather [hbm4b:s2+s3], $0x80, v3, vm0, $0xb8;
	[tilespmem:$0x16800] =	vst v63  }
0xf6: {  	_ = 	snop  }
0xf7: {  	[tilespmem:s18], [sflag:$0x1] =	stream.indirect_vreg.gather [hbm4b:s5+s3], $0x80, v3, vm0, $0xb8;
	[tilespmem:$0x16800] =	vst v63  }
0xf8: {  	v3 =	vld [tilespmem:s28+$0xFFFFFF80];
	_ =	sdelay $0x4  }
0xf9: {  	v58 =	vshll.u32 v3, $0x2  }
0xfa: {  	v3 =	vand.u32 $0x7, v3;
	v4 =	vand.u32 $0xFFFFFFE0, v58  }
0xfb: {  	v3 =	vor.u32 v3, v4  }
0xfc: {  	v4 =	vperm.xlane v3, v0;
	_ =	sdelay $0x1  }
0xfd: {  	v4 =	vadd.s32 v1, v4;
	_ =	sdelay $0x1  }
0xfe: {  	v3 =	vperm.xlane v3, v2;
	_ =	sdelay $0x1  }
0xff: {  	v3 =	vadd.s32 v1, v3  }
0x100: {  	[tilespmem:s19], [sflag:$0x1] =	stream.indirect_vreg.gather [hbm4b:s2+s3], $0x80, v4, vm0, $0xb8;
	[tilespmem:$0x16800] =	vst v63  }
0x101: {  	_ = 	snop  }
0x102: {  	[tilespmem:s20], [sflag:$0x1] =	stream.indirect_vreg.gather [hbm4b:s5+s3], $0x80, v4, vm0, $0xb8;
	[tilespmem:$0x16800] =	vst v63  }
0x103: {  	_ = 	snop  }
0x104: {  	[tilespmem:s21], [sflag:$0x1] =	stream.indirect_vreg.gather [hbm4b:s2+s3], $0x80, v3, vm0, $0xb8;
	[tilespmem:$0x16800] =	vst v63  }
0x105: {  	_ = 	snop  }
0x106: {  	[tilespmem:s22], [sflag:$0x1] =	stream.indirect_vreg.gather [hbm4b:s5+s3], $0x80, v3, vm0, $0xb8;
	[tilespmem:$0x16800] =	vst v63  }
0x107: {  	_ =	swait.ge [sflag:s25], $0xA000  }
0x108: {  	[sflag:s25] =	ssyncset.done $0x0  }
0x109: {  	s30 =	sadd.s32 $0x1400, s30;
	s0 =	simm.s32 $0xC800;
	[sflag:s25] =	ssyncadd.s32 $0xFFFF6000  }
0x10a: {  	[hbm4b:s30+s3] =	stream.linear.scatter [tilespmem:s0], [sflag:$0x4], $0xA000, $0x38;
	[tilespmem:$0x16800] =	vst v63  }
0x10b: {  	_ =	swait.ge [sflag:s26], $0xA000  }
0x10c: {  	[sflag:s26] =	ssyncset.done $0x0  }
0x10d: {  	[sflag:s26] =	ssyncadd.s32 $0xFFFF6000  }
0x10e: {  	v3 =	vld [tilespmem:s28+$0xFFFFFFC0];
	_ =	sdelay $0x4  }
0x10f: {  	v59 =	vshll.u32 v3, $0x2  }
0x110: {  	v3 =	vand.u32 $0x7, v3;
	v4 =	vand.u32 $0xFFFFFFE0, v59  }
0x111: {  	v3 =	vor.u32 v3, v4  }
0x112: {  	v4 =	vperm.xlane v3, v0;
	_ =	sdelay $0x1  }
0x113: {  	v4 =	vadd.s32 v1, v4;
	_ =	sdelay $0x1  }
0x114: {  	v3 =	vperm.xlane v3, v2;
	_ =	sdelay $0x1  }
0x115: {  	v3 =	vadd.s32 v1, v3  }
0x116: {  	[tilespmem:s0], [sflag:$0x2] =	stream.indirect_vreg.gather [hbm4b:s2+s3], $0x80, v4, vm0, $0xb8;
	[tilespmem:$0x16800] =	vst v63  }
0x117: {  	s30 =	simm.s32 $0xD000  }
0x118: {  	[tilespmem:s30], [sflag:$0x2] =	stream.indirect_vreg.gather [hbm4b:s5+s3], $0x80, v4, vm0, $0xb8;
	[tilespmem:$0x16800] =	vst v63  }
0x119: {  	_ = 	snop  }
0x11a: {  	[tilespmem:s10], [sflag:$0x2] =	stream.indirect_vreg.gather [hbm4b:s2+s3], $0x80, v3, vm0, $0xb8;
	[tilespmem:$0x16800] =	vst v63  }
0x11b: {  	s0 =	simm.s32 $0xE000  }
0x11c: {  	[tilespmem:s0], [sflag:$0x2] =	stream.indirect_vreg.gather [hbm4b:s5+s3], $0x80, v3, vm0, $0xb8;
	[tilespmem:$0x16800] =	vst v63  }
0x11d: {  	v3 =	vld [tilespmem:s28+$0xFFFFFFD0];
	_ =	sdelay $0x4  }
0x11e: {  	v60 =	vshll.u32 v3, $0x2  }
0x11f: {  	v3 =	vand.u32 $0x7, v3;
	v4 =	vand.u32 $0xFFFFFFE0, v60  }
0x120: {  	v3 =	vor.u32 v3, v4  }
0x121: {  	v4 =	vperm.xlane v3, v0;
	_ =	sdelay $0x1  }
0x122: {  	v4 =	vadd.s32 v1, v4;
	_ =	sdelay $0x1  }
0x123: {  	v3 =	vperm.xlane v3, v2;
	_ =	sdelay $0x1  }
0x124: {  	s0 =	simm.s32 $0xE800;
	v3 =	vadd.s32 v1, v3  }
0x125: {  	[tilespmem:s0], [sflag:$0x2] =	stream.indirect_vreg.gather [hbm4b:s2+s3], $0x80, v4, vm0, $0xb8;
	[tilespmem:$0x16800] =	vst v63  }
0x126: {  	s0 =	simm.s32 $0xF000  }
0x127: {  	[tilespmem:s0], [sflag:$0x2] =	stream.indirect_vreg.gather [hbm4b:s5+s3], $0x80, v4, vm0, $0xb8;
	[tilespmem:$0x16800] =	vst v63  }
0x128: {  	s0 =	simm.s32 $0xF800  }
0x129: {  	[tilespmem:s0], [sflag:$0x2] =	stream.indirect_vreg.gather [hbm4b:s2+s3], $0x80, v3, vm0, $0xb8;
	[tilespmem:$0x16800] =	vst v63  }
0x12a: {  	s0 =	simm.s32 $0x10000  }
0x12b: {  	[tilespmem:s0], [sflag:$0x2] =	stream.indirect_vreg.gather [hbm4b:s5+s3], $0x80, v3, vm0, $0xb8;
	[tilespmem:$0x16800] =	vst v63  }
0x12c: {  	v3 =	vld [tilespmem:s28+$0xFFFFFFE0];
	_ =	sdelay $0x4  }
0x12d: {  	v61 =	vshll.u32 v3, $0x2  }
0x12e: {  	v3 =	vand.u32 $0x7, v3;
	v4 =	vand.u32 $0xFFFFFFE0, v61  }
0x12f: {  	v3 =	vor.u32 v3, v4  }
0x130: {  	v4 =	vperm.xlane v3, v0;
	_ =	sdelay $0x1  }
0x131: {  	v4 =	vadd.s32 v1, v4;
	_ =	sdelay $0x1  }
0x132: {  	v3 =	vperm.xlane v3, v2;
	_ =	sdelay $0x1  }
0x133: {  	s0 =	simm.s32 $0x10800;
	v3 =	vadd.s32 v1, v3  }
0x134: {  	[tilespmem:s0], [sflag:$0x2] =	stream.indirect_vreg.gather [hbm4b:s2+s3], $0x80, v4, vm0, $0xb8;
	[tilespmem:$0x16800] =	vst v63  }
0x135: {  	s0 =	simm.s32 $0x11000  }
0x136: {  	[tilespmem:s0], [sflag:$0x2] =	stream.indirect_vreg.gather [hbm4b:s5+s3], $0x80, v4, vm0, $0xb8;
	[tilespmem:$0x16800] =	vst v63  }
0x137: {  	s0 =	simm.s32 $0x11800  }
0x138: {  	[tilespmem:s0], [sflag:$0x2] =	stream.indirect_vreg.gather [hbm4b:s2+s3], $0x80, v3, vm0, $0xb8;
	[tilespmem:$0x16800] =	vst v63  }
0x139: {  	s0 =	simm.s32 $0x12000  }
0x13a: {  	[tilespmem:s0], [sflag:$0x2] =	stream.indirect_vreg.gather [hbm4b:s5+s3], $0x80, v3, vm0, $0xb8;
	[tilespmem:$0x16800] =	vst v63  }
0x13b: {  	v3 =	vld [tilespmem:s28+$0xFFFFFFF0];
	_ =	sdelay $0x4  }
0x13c: {  	v62 =	vshll.u32 v3, $0x2  }
0x13d: {  	v3 =	vand.u32 $0x7, v3;
	v4 =	vand.u32 $0xFFFFFFE0, v62  }
0x13e: {  	v3 =	vor.u32 v3, v4  }
0x13f: {  	v4 =	vperm.xlane v3, v0;
	_ =	sdelay $0x1  }
0x140: {  	v4 =	vadd.s32 v1, v4;
	_ =	sdelay $0x1  }
0x141: {  	v3 =	vperm.xlane v3, v2;
	_ =	sdelay $0x1  }
0x142: {  	s0 =	simm.s32 $0x12800;
	v3 =	vadd.s32 v1, v3  }
0x143: {  	[tilespmem:s0], [sflag:$0x2] =	stream.indirect_vreg.gather [hbm4b:s2+s3], $0x80, v4, vm0, $0xb8;
	[tilespmem:$0x16800] =	vst v63  }
0x144: {  	s0 =	simm.s32 $0x13000  }
0x145: {  	[tilespmem:s0], [sflag:$0x2] =	stream.indirect_vreg.gather [hbm4b:s5+s3], $0x80, v4, vm0, $0xb8;
	[tilespmem:$0x16800] =	vst v63  }
0x146: {  	s0 =	simm.s32 $0x13800  }
0x147: {  	[tilespmem:s0], [sflag:$0x2] =	stream.indirect_vreg.gather [hbm4b:s2+s3], $0x80, v3, vm0, $0xb8;
	[tilespmem:$0x16800] =	vst v63  }
0x148: {  	s0 =	simm.s32 $0x14000  }
0x149: {  	[tilespmem:s0], [sflag:$0x2] =	stream.indirect_vreg.gather [hbm4b:s5+s3], $0x80, v3, vm0, $0xb8;
	[tilespmem:$0x16800] =	vst v63  }
0x14a: {  	v3 =	vld [tilespmem:s28+$0x0];
	_ =	sdelay $0x4  }
0x14b: {  	v63 =	vshll.u32 v3, $0x2  }
0x14c: {  	v3 =	vand.u32 $0x7, v3;
	v4 =	vand.u32 $0xFFFFFFE0, v63  }
0x14d: {  	v3 =	vor.u32 v3, v4  }
0x14e: {  	v4 =	vperm.xlane v3, v0;
	_ =	sdelay $0x1  }
0x14f: {  	v4 =	vadd.s32 v1, v4;
	_ =	sdelay $0x2  }
0x150: {  	v3 =	vperm.xlane v3, v2  }
0x151: {  	s0 =	simm.s32 $0x14800  }
0x152: {  	v3 =	vadd.s32 v1, v3;
	[tilespmem:s0], [sflag:$0x2] =	stream.indirect_vreg.gather [hbm4b:s2+s3], $0x80, v4, vm0, $0xb8;
	[tilespmem:$0x16800] =	vst v63  }
0x153: {  	p0 =	sne.s32 s29, $0x5F000;
	s0 =	simm.s32 $0x15000  }
0x154: {  	[tilespmem:s0], [sflag:$0x2] =	stream.indirect_vreg.gather [hbm4b:s5+s3], $0x80, v4, vm0, $0xb8;
	[tilespmem:$0x16800] =	vst v63  }
.Ltmp0:
0x155: {  	_ = 	snop;
	(pc) =	sbr.rel @p0 .LBB2_2-.Ltmp0, $4  }
0x156: {  	s31 =	simm.s32 $0x2800  }
0x157: {  	[tilespmem:s6], [sflag:$0x2] =	stream.indirect_vreg.gather [hbm4b:s2+s3], $0x80, v3, vm0, $0xb8;
	[tilespmem:$0x16800] =	vst v63  }
0x158: {  	s29 =	sadd.s32 $0x2800, s29;
	s1 =	simm.s32 $0xC800;
	s28 =	sadd.s32 $0x100, s28  }
0x159: {  	[tilespmem:s4], [sflag:$0x2] =	stream.indirect_vreg.gather [hbm4b:s5+s3], $0x80, v3, vm0, $0xb8;
	[tilespmem:$0x16800] =	vst v63  }
0x15a: {  	_ =	swait.ge [sflag:s23], $0xA000  }
0x15b: {  	[sflag:s23] =	ssyncset.done $0x0  }
0x15c: {  	s28 =	rddreg [dreg:$0x6];
	[sflag:s23] =	ssyncadd.s32 $0xFFFF6000  }
0x15d: {  	[hbm4b:s28+s3] =	stream.linear.scatter [tilespmem:s31], [sflag:$0x3], $0xA000, $0x38;
	[tilespmem:$0x16800] =	vst v63  }
0x15e: {  	_ =	swait.ge [sflag:s25], $0xA000  }
0x15f: {  	[sflag:s25] =	ssyncset.done $0x0  }
0x160: {  	s21 =	rddreg [dreg:$0x7];
	[sflag:s25] =	ssyncadd.s32 $0xFFFF6000  }
0x161: {  	[hbm4b:s21+s3] =	stream.linear.scatter [tilespmem:s1], [sflag:$0x4], $0xA000, $0x38;
	[tilespmem:$0x16800] =	vst v63  }
0x162: {  	_ =	swait.ge [sflag:s24], $0xA000  }
0x163: {  	[sflag:s24] =	ssyncset.done $0x0  }
0x164: {  	s29 =	simm.s32 $0x3000;
	s4 =	simm.s32 $0x4000;
	[sflag:s24] =	ssyncadd.s32 $0xFFFF6000  }
0x165: {  	s6 =	simm.s32 $0x4800;
	s7 =	simm.s32 $0x5000;
	_ =	swait.ge [sflag:s26], $0xA000  }
0x166: {  	s8 =	simm.s32 $0x5800;
	s9 =	simm.s32 $0x6000;
	s0 =	rddreg [dreg:$0x9]  }
0x167: {  	s11 =	simm.s32 $0x6800;
	s22 =	rddreg [dreg:$0x8];
	s0 =	sadd.s32 $0x1, s0  }
0x168: {  	s12 =	simm.s32 $0x7000;
	s13 =	simm.s32 $0x7800;
	p0 =	sne.s32 s0, s22  }
.Ltmp1:
0x169: {  	s14 =	simm.s32 $0x8000;
	s15 =	simm.s32 $0x8800;
	(pc) =	sbr.rel @p0 .LBB2_1-.Ltmp1, $4  }
0x16a: {  	s16 =	simm.s32 $0x9000;
	s17 =	simm.s32 $0x9800;
	s18 =	simm.s32 $0xA000  }
0x16b: {  	s19 =	simm.s32 $0xA800;
	s20 =	simm.s32 $0xB000;
	[sflag:s26] =	ssyncset.done $0x0  }
0x16c: {  	s10 =	simm.s32 $0xD800;
	s21 =	simm.s32 $0xB800;
	[sflag:s26] =	ssyncadd.s32 $0xFFFF6000  }
0x16d: {  	[dreg:$0x9] =	wrdreg s0;
	s0 =	simm.s32 $0x3800;
	s22 =	simm.s32 $0xC000  }
0x16e: {  	_ =	sfence.sel $0x180000  }
0x16f: {  	[bflag:$0x0] =	sbarrier.arrive $0xFFFF  }
0x170: {  	_ =	strace $0x90000047  }
0x171: {  	s0 =	stileid.u32;
	[bflag:$0x2] =	sbarrier.arrive $0xFFFF  }
0x172: {  	p0 =	sne.s32 s0, $0x0;
	s0 =	rddreg [dreg:$0x3]  }
0x173: {  	s0 =	sadd.s32 @!p0 $0x100000, s0  }
0x174: {  	[sflag:s0] =	ssyncadd.tile.s32 @!p0 $0x1;
	_ =	shalt  }
.Lfunc_end2:
_tile_overlayer_lowered:
.L_overlay_start_2:
0x175: {  	(tag) =	ssettag $0x2  }
0x176: {  	s0 =	rddreg [dreg:$0x0];
	s2 =	stileid.u32  }
0x177: {  	s1 =	rddreg [dreg:$0x1];
	p0 =	sne.s32 s2, $0x0  }
0x178: {  	s3 =	rddreg [dreg:$0x2];
	[bflag:$0x3] =	sbarrier.arrive $0xFFFF;
	s2 =	simm.s32 @!p0 $0x1C05  }
0x179: {  	[timem:s3], [sflag:s2] =	dma.local @!p0 [hbm:s0], s1  }
0x17a: {  	s0 =	simm.s32 @!p0 $0x5  }
0x17b: {  	_ =	swait.ge @!p0 [sflag:s0], s1  }
0x17c: {  	s1 =	ssub.s32 @!p0 $0x0, s1;
	[sflag:s0] =	ssyncset.done @!p0 $0x0  }
0x17d: {  	[sflag:s0] =	ssyncadd.s32 @!p0 s1  }
0x17e: {  	[bflag:$0x3] =	sbarrier.arrive $0xFFFF  }
0x17f: {  	_ =	shalt  }

// kernel: sparse-core-data-format-call.cloned.1.call-start
scs
called_computation_lowered:
.L_overlay_start_0:
0x0: {  	s2 =	sld [smem:$0x3FD9]  }
0x1: {  	s3 =	sld [smem:$0x3FFE];
	_ =	sdelay $0x1  }
0x2: {  	s1 =	srdreg.scid  }
0x3: {  	s0 =	sand.u32 $0x1, s1  }
0x4: {  	s18 =	sshll.u32 s0, $0xA;
	s2 =	sadd.s32 s3, s2  }
0x5: {  	s2 =	sadd.s32 s2, s18  }
0x6: {  	[smem:$0x3FC6] =	sst s2  }
0x7: {  	_ = 	snop  }
0x8: {  	s2 =	sld [smem:$0x3FD0];
	(tm) =	ssettm $0x1  }
0x9: {  	s19 =	sld [smem:$0x3FFB];
	_ =	sdelay $0x3  }
0xa: {  	_ =	strace s19  }
0xb: {  	s3 =	sld [smem:$0x3FFC];
	_ =	sdelay $0x3  }
0xc: {  	_ =	strace s3  }
0xd: {  	s3 =	sld [smem:$0x3FFD];
	_ =	sdelay $0x3  }
0xe: {  	_ =	strace s3  }
0xf: {  	_ =	strace $0x8FFFFFFF  }
0x10: {  	s20 =	sld [smem:$0x3FDB];
	_ =	sdelay $0x1  }
0x11: {  	s4 =	simm.s32 $_scs_section_size  }
0x12: {  	s5 =	simm.s32 $_size__tile_overlayer_lowered;
	s6 =	simm.s32 $_tile_overlayer_lowered  }
0x13: {  	s23 =	simm.s32 $0x1BFF;
	s22 =	sshll.u32 s6, $0x1;
	s3 =	sadd.s32 s4, s20  }
0x14: {  	s7 =	simm.s32 $0x0;
	s21 =	sshll.u32 s5, $0x1;
	s5 =	sadd.s32 s22, s3  }
0x15: {  	[timem:s7], [sflag:s23] =	dma.local [hbm:s5], s21  }
0x16: {  	_ =	swait.ge [sflag:s23], s21  }
0x17: {  	s4 =	ssub.s32 $0x0, s21;
	[sflag:s23] =	ssyncset.done $0x0  }
0x18: {  	[sflag:s23] =	ssyncadd.s32 s4;
	_ =	sdelay $0x1  }
0x19: {  	s24 =	simm.s32 $0x1B8B  }
0x1a: {  	_ =	swait.ge [sflag:s24], $0x1  }
0x1b: {  	[sflag:s24] =	ssyncset.done $0x0  }
0x1c: {  	s26 =	simm.s32 $0x1B8E;
	s25 =	sld [smem:$0x3FFE];
	[sflag:s24] =	ssyncadd.s32 $0xFFFFFFFF  }
0x1d: {  	s27 =	simm.s32 $execute0_lowered;
	[smem:$0x3FD2] =	sst s26  }
0x1e: {  	s5 =	sshll.u32 s27, $0x1;
	_ =	strace $0x80000049;
	[dreg:$0x1] =	wrdreg $0xFFFFFFFF  }
0x1f: {  	s28 =	simm.s32 $_size_execute0_lowered;
	s3 =	sadd.s32 s3, s5;
	[dreg:$0x0] =	wrdreg $0x0  }
0x20: {  	s5 =	sshll.u32 s28, $0x1;
	[dreg:$0x2] =	wrdreg s3  }
0x21: {  	[dreg:$0x3] =	wrdreg s5  }
0x22: {  	[dreg:$0x4] =	wrdreg $0xC0  }
0x23: {  	_ =	task [dreg:s7], $0x5FFFF  }
0x24: {  	[dreg:$0x1] =	wrdreg $0xFFFFFFFF  }
0x25: {  	[dreg:$0x0] =	wrdreg $0x60  }
0x26: {  	[dreg:$0x2] =	wrdreg s25  }
0x27: {  	[dreg:$0x3] =	wrdreg s2  }
0x28: {  	[dreg:$0x4] =	wrdreg $0x9  }
0x29: {  	_ =	task.clear_ibuf [dreg:s7], $0x5FFFF;
	_ =	strace $0x90000049  }
0x2a: {  	s29 =	simm.s32 $0x9;
	_ =	strace $0x8000004B  }
0x2b: {  	_ =	swait.ge [sflag:s29], $0x1  }
0x2c: {  	[sflag:s29] =	ssyncadd.s32 $0xFFFFFFFF  }
0x2d: {  	_ =	strace $0x9000004B  }
0x2e: {  	_ =	sfence  }
0x2f: {  	s30 =	sld [smem:$0x0];
	_ =	sdelay $0x2  }
0x30: {  	s31 =	sshll.u32 s1, $0xD;
	s1 =	sshrl.u32 s1, $0x2  }
0x31: {  	s3 =	sand.u32 $0x4000, s31;
	s1 =	sadd.s32 s1, s30  }
0x32: {  	s0 =	sor.u32 s3, s0;
	s1 =	sshll.u32 s1, $0x11  }
0x33: {  	s0 =	sor.u32 s1, s0  }
0x34: {  	s0 =	sadd.s32 $0x8F2B, s0  }
0x35: {  	[sflag:s0] =	ssyncadd.remote.s32 $0x1  }
0x36: {  	_ =	sfence.sel $0xFFFF  }
0x37: {  	[dreg:$0x0] =	wrdreg $0xFFFFFFFF;
	(pc) =	sbr.abs _section_cstart, $3  }
0x38: {  	[dreg:$0x1] =	wrdreg $0xFFFFFFFF  }
0x39: {  	_ =	task.clear_ibuf [dreg:s7], $0x2FFFF;
	_ =	strace $0x9FFFFFFF  }
0x3a: {  	(tm) =	ssettm $0x7FFFFFFF  }
0x3b: {  	_ =	shalt  }
tec
execute0_lowered:
.L_overlay_start_1:
0x0: {  	(tag) =	ssettag $0x1  }
0x1: {  	s0 =	srdreg.scid  }
0x2: {  	s1 =	sshll.u32 s0, $0x4  }
0x3: {  	s6 =	rddreg [dreg:$0x0];
	s0 =	stileid.u32;
	s1 =	sand.u32 $0x10, s1  }
0x4: {  	s3 =	rddreg [dreg:$0x1];
	s1 =	sor.u32 s0, s1  }
0x5: {  	s5 =	simm.s32 $0x1;
	s31 =	simm.s32 $0x2;
	s2 =	sshll.u32 s1, $0x7  }
0x6: {  	s14 =	simm.s32 $0x0;
	s8 =	simm.s32 $0x1000;
	s4 =	ssub.s32 $0x1000, s2  }
0x7: {  	s9 =	simm.s32 $0x0;
	s15 =	simm.s32 $0x0;
	s30 =	sand.u32 $0xF80, s4  }
0x8: {  	s16 =	simm.s32 $0x0;
	s10 =	simm.s32 $0x0;
	p0 =	sne.s32 s30, $0x0  }
.Ltmp0:
0x9: {  	s7 =	sshrl.u32 s4, $0xC;
	s5 =	simm.s32 @!p0 $0x0;
	(pc) =	sbr.rel .LBB1_1-.Ltmp0, $4  }
0xa: {  	s11 =	simm.s32 $0x0;
	s1 =	rddreg [dreg:$0x2];
	s5 =	sadd.s32 s5, s7  }
0xb: {  	_ =	strace $0x8000004A;
	s4 =	simm.s32 $0x1;
	s5 =	smul.u32 $0xC8, s5  }
0xc: {  	s13 =	simm.s32 $0x0;
	s6 =	sadd.s32 $0x800, s6;
	[sflag:s4] =	ssyncpa.u1 $0x0  }
0xd: {  	s12 =	smov.u32 s2;
	[sflag:s31] =	ssyncpa.u1 $0x0;
	s7 =	sor.u32 $0x1, s5  }
.LBB1_4:
0xe: {  	_ =	sdelay $0x3  }
0xf: {  	[tilespmem:v0+s19+$0xFFFFFFD0 ss:$0x1] =	vst.idx.msk $0xffff, v6  }
0x10: {  	v56 =	vld.idx.msk [tilespmem:v1+s18+$0x0 ss:$0x1], $0xffff;
	[tilespmem:v0+s19+$0xFFFFFFE0 ss:$0x1] =	vst.idx.msk $0xffff, v4  }
0x11: {  	v57 =	vld.idx.msk [tilespmem:v1+s18+$0xFFFFFF90 ss:$0x1], $0xffff;
	[tilespmem:v0+s19+$0xFFFFFFF0 ss:$0x1] =	vst.idx.msk $0xffff, v2  }
0x12: {  	v58 =	vld.idx.msk [tilespmem:v1+s18+$0xFFFFFFA0 ss:$0x1], $0xffff;
	[tilespmem:v0+s19+$0x0 ss:$0x1] =	vst.idx.msk $0xffff, v3  }
0x13: {  	v59 =	vld.idx.msk [tilespmem:v1+s18+$0xFFFFFFB0 ss:$0x1], $0xffff;
	[tilespmem:v0+s19+$0x10 ss:$0x1] =	vst.idx.msk $0xffff, v5  }
0x14: {  	v60 =	vld.idx.msk [tilespmem:v1+s18+$0xFFFFFFC0 ss:$0x1], $0xffff;
	[tilespmem:v0+s19+$0x20 ss:$0x1] =	vst.idx.msk $0xffff, v7  }
0x15: {  	v61 =	vld.idx.msk [tilespmem:v1+s18+$0xFFFFFFD0 ss:$0x1], $0xffff;
	s27 =	sshll.u32 s16, $0x9;
	[tilespmem:v0+s18+$0x30 ss:$0x1] =	vst.idx.msk $0xffff, v56  }
0x16: {  	s20 =	sshll.u32 s14, $0x3;
	v62 =	vld.idx.msk [tilespmem:v1+s18+$0xFFFFFFE0 ss:$0x1], $0xffff;
	s28 =	sshll.u32 s16, $0x7;
	s30 =	sand.u32 $0x78, s14;
	[tilespmem:v0+s18+$0xFFFFFFC0 ss:$0x1] =	vst.idx.msk $0xffff, v57  }
0x17: {  	v63 =	vld.idx.msk [tilespmem:v1+s18+$0xFFFFFFF0 ss:$0x1], $0xffff;
	s15 =	sshll.u32 s15, $0x12;
	s19 =	sand.u32 $0x1FF000, s27;
	s20 =	sand.u32 $0x1FFC00, s20;
	[tilespmem:v0+s18+$0xFFFFFFD0 ss:$0x1] =	vst.idx.msk $0xffff, v58  }
0x18: {  	s29 =	sand.u32 $0x200, s28;
	s16 =	sand.u32 $0x180, s28;
	s19 =	sadd.s32 s19, s20;
	[tilespmem:v0+s18+$0xFFFFFFE0 ss:$0x1] =	vst.idx.msk $0xffff, v59  }
0x19: {  	s31 =	sand.u32 $0x7, s14;
	s16 =	sor.u32 s16, s30;
	s19 =	sor.u32 s29, s19;
	[tilespmem:v0+s18+$0xFFFFFFF0 ss:$0x1] =	vst.idx.msk $0xffff, v60  }
0x1a: {  	s15 =	sadd.s32 s3, s15;
	s16 =	sshrl.u32 s16, $0x3;
	s19 =	sshrl.u32 s19, $0x3;
	[tilespmem:v0+s18+$0x0 ss:$0x1] =	vst.idx.msk $0xffff, v61  }
0x1b: {  	s14 =	sshll.u32 s31, $0x12;
	s15 =	sadd.s32 s16, s15;
	[tilespmem:v0+s18+$0x10 ss:$0x1] =	vst.idx.msk $0xffff, v62;
	s19 =	sand.u32 $0x3FFC0, s19  }
0x1c: {  	s14 =	sor.u32 $0x400, s14;
	[tilespmem:v0+s18+$0x20 ss:$0x1] =	vst.idx.msk $0xffff, v63;
	s15 =	sadd.s32 s19, s15  }
0x1d: {  	[hbm4b:s15+s14] =	stream.strided.scatter [tilespmem:s17], [sflag:$0x2], $0x4000, s8, s14, $0x38;
	[tilespmem:$0x10000] =	vst v63  }
.LBB1_5:
0x1e: {  	s17 =	sadd.s32 $0x80, s10  }
0x1f: {  	s14 =	simm.s32 $0x1;
	p1 =	sgt.s32 s17, $0x1FF  }
0x20: {  	s14 =	simm.s32 @!p1 $0x0  }
0x21: {  	s18 =	sadd.s32 s14, s11  }
0x22: {  	s20 =	smov.u32 s12;
	s14 =	sadd.s32 $0x1000, s12;
	p2 =	sgt.s32 s18, $0x31  }
0x23: {  	s20 =	smov.u32 @p2 s14  }
0x24: {  	p0 =	slt.u32 s13, $0x2;
	s17 =	simm.s32 @p1 $0x0;
	p1 =	sgt.s32 s20, $0xFFF  }
0x25: {  	s19 =	simm.s32 @!p0 $0x2;
	s20 =	smov.u32 @p1 s2;
	p1 =	sne.s32 s13, s7  }
.Ltmp1:
0x26: {  	_ =	swait.ge @!p0 [sflag:s19], $0x4000;
	(pc) =	sbr.rel @!p1 .LBB1_6-.Ltmp1, $4  }
0x27: {  	s15 =	smov.u32 s11;
	[sflag:s19] =	ssyncset.done @!p0 $0x0  }
0x28: {  	s16 =	smov.u32 s12;
	s9 =	sadd.s32 $0x4000, s9;
	[sflag:s19] =	ssyncadd.s32 @!p0 $0xFFFFC000  }
0x29: {  	s18 =	simm.s32 @p2 $0x0;
	s14 =	smov.u32 s10;
	s10 =	smov.u32 s17  }
0x2a: {  	s11 =	smov.u32 s18;
	s13 =	sadd.s32 $0x1, s13;
	s12 =	smov.u32 s20  }
.LBB1_1:
0x2b: {  	p0 =	sge.u32 s13, s5  }
0x2c: {  	s17 =	sshll.u32 @!p0 s11, $0x9;
	s18 =	sshll.u32 @!p0 s10, $0x3  }
0x2d: {  	s19 =	sshll.u32 @!p0 s11, $0x7;
	s17 =	sand.u32 @!p0 $0xFFFFF000, s17;
	s18 =	sand.u32 @!p0 $0xFFFFFC00, s18  }
0x2e: {  	s17 =	sadd.s32 @!p0 s17, s18;
	s18 =	sand.u32 @!p0 $0x200, s19  }
0x2f: {  	s17 =	sor.u32 @!p0 s18, s17  }
0x30: {  	s17 =	sshrl.u32 @!p0 s17, $0x9  }
0x31: {  	s31 =	sadd.s32 $0xFFFFFFFF, s13;
	s18 =	smulhi.u32 @!p0 $0x4924925, s17  }
0x32: {  	s20 =	sxor.u32 @!p0 $0xFFFFFFFF, s13;
	s21 =	sand.u32 @!p0 $0x78, s10;
	s22 =	smul.u32 @!p0 $0xE00, s12  }
0x33: {  	s20 =	sshll.u32 @!p0 s20, $0xE;
	s19 =	sand.u32 @!p0 $0x180, s19;
	s18 =	smul.u32 @!p0 $0x38, s18  }
0x34: {  	s20 =	sand.u32 @!p0 $0x4000, s20;
	s19 =	sor.u32 @!p0 s21, s19;
	s21 =	sand.u32 @!p0 $0x7, s10  }
0x35: {  	s17 =	ssub.s32 @!p0 s17, s18;
	s18 =	sshrl.u32 @!p0 s19, $0x3;
	s19 =	sadd.s32 @!p0 s6, s22  }
0x36: {  	s17 =	sshll.u32 @!p0 s17, $0x6;
	s18 =	sadd.s32 @!p0 s18, s19;
	s19 =	sshll.u32 @!p0 s21, $0x12  }
0x37: {  	s17 =	sadd.s32 @!p0 s17, s18;
	s18 =	sor.u32 @!p0 $0x80, s19;
	s19 =	simm.s32 @!p0 $0x7000  }
0x38: {  	[tilespmem:s20], [sflag:$0x1] =	stream.strided.gather @!p0 [hbm4b:s17+s18], $0x4000, s19, s18, $0x38;
	[tilespmem:$0x10000] =	vst v63  }
0x39: {  	p0 =	sge.u32 s31, s5  }
.Ltmp2:
0x3a: {  	_ = 	snop;
	(pc) =	sbr.rel @p0 .LBB1_5-.Ltmp2, $1  }
0x3b: {  	_ =	sdelay $0x3  }
0x3c: {  	s17 =	sand.u32 $0x4000, s9  }
0x3d: {  	s18 =	sor.u32 $0x70, s17  }
0x3e: {  	v1 =	vmov s18;
	_ =	sdelay $0x1  }
0x3f: {  	_ =	swait.ge [sflag:s4], $0x4000  }
0x40: {  	[sflag:s4] =	ssyncset.done $0x0  }
0x41: {  	s19 =	simm.s32 $0x0;
	[sflag:s4] =	ssyncadd.s32 $0xFFFFC000  }
0x42: {  	s17 =	sor.u32 $0x8040, s17;
	v7 =	vld.idx.msk [tilespmem:v1+s19+$0x0 ss:$0x1], $0xffff  }
0x43: {  	v0 =	vmov s17;
	v8 =	vld.idx.msk [tilespmem:v1+s19+$0xFFFFFF90 ss:$0x1], $0xffff  }
0x44: {  	v6 =	vld.idx.msk [tilespmem:v1+s19+$0xFFFFFFA0 ss:$0x1], $0xffff  }
0x45: {  	v4 =	vld.idx.msk [tilespmem:v1+s19+$0xFFFFFFB0 ss:$0x1], $0xffff  }
0x46: {  	v2 =	vld.idx.msk [tilespmem:v1+s19+$0xFFFFFFC0 ss:$0x1], $0xffff  }
0x47: {  	s31 =	sshll.u32 s13, $0xE;
	v3 =	vld.idx.msk [tilespmem:v1+s19+$0xFFFFFFD0 ss:$0x1], $0xffff  }
0x48: {  	s17 =	sand.u32 $0x4000, s31;
	v5 =	vld.idx.msk [tilespmem:v1+s19+$0xFFFFFFE0 ss:$0x1], $0xffff;
	[tilespmem:v0+s19+$0x30 ss:$0x1] =	vst.idx.msk $0xffff, v7  }
0x49: {  	s20 =	simm.s32 $0x400;
	s18 =	simm.s32 $0x80;
	s17 =	sor.u32 $0x8000, s17;
	[tilespmem:v0+s19+$0xFFFFFFC0 ss:$0x1] =	vst.idx.msk $0xffff, v8;
	v7 =	vld.idx.msk [tilespmem:v1+s19+$0xFFFFFFF0 ss:$0x1], $0xffff  }
.LBB1_3:
0x4a: {  	p0 =	sne.s32 s20, $0xFE00;
	v8 =	vld.idx.msk [tilespmem:v1+s18+$0x0 ss:$0x1], $0xffff;
	[tilespmem:v0+s19+$0xFFFFFFD0 ss:$0x1] =	vst.idx.msk $0xffff, v6  }
0x4b: {  	v9 =	vld.idx.msk [tilespmem:v1+s18+$0xFFFFFF90 ss:$0x1], $0xffff;
	[tilespmem:v0+s19+$0xFFFFFFE0 ss:$0x1] =	vst.idx.msk $0xffff, v4  }
0x4c: {  	v6 =	vld.idx.msk [tilespmem:v1+s18+$0xFFFFFFA0 ss:$0x1], $0xffff;
	[tilespmem:v0+s19+$0xFFFFFFF0 ss:$0x1] =	vst.idx.msk $0xffff, v2  }
.Ltmp3:
0x4d: {  	v4 =	vld.idx.msk [tilespmem:v1+s18+$0xFFFFFFB0 ss:$0x1], $0xffff;
	[tilespmem:v0+s19+$0x0 ss:$0x1] =	vst.idx.msk $0xffff, v3;
	(pc) =	sbr.rel @p0 .LBB1_3-.Ltmp3, $4  }
0x4e: {  	v2 =	vld.idx.msk [tilespmem:v1+s18+$0xFFFFFFC0 ss:$0x1], $0xffff;
	[tilespmem:v0+s19+$0x10 ss:$0x1] =	vst.idx.msk $0xffff, v5  }
0x4f: {  	v3 =	vld.idx.msk [tilespmem:v1+s18+$0xFFFFFFD0 ss:$0x1], $0xffff;
	[tilespmem:v0+s19+$0x20 ss:$0x1] =	vst.idx.msk $0xffff, v7;
	s19 =	smov.u32 s18  }
0x50: {  	v5 =	vld.idx.msk [tilespmem:v1+s19+$0xFFFFFFE0 ss:$0x1], $0xffff;
	[tilespmem:v0+s19+$0x30 ss:$0x1] =	vst.idx.msk $0xffff, v8  }
0x51: {  	s18 =	sshra.s32 s20, $0x2;
	s20 =	sadd.s32 $0x200, s20;
	[tilespmem:v0+s19+$0xFFFFFFC0 ss:$0x1] =	vst.idx.msk $0xffff, v9;
	v7 =	vld.idx.msk [tilespmem:v1+s19+$0xFFFFFFF0 ss:$0x1], $0xffff  }
.Ltmp4:
0x52: {  	_ = 	snop;
	(pc) =	sbr.rel .LBB1_4-.Ltmp4, $1  }
0x53: {  	_ =	sdelay $0x3  }
.LBB1_6:
0x54: {  	_ =	sfence.sel $0x180000  }
0x55: {  	s2 =	simm.s32 $0x1;
	[bflag:$0x0] =	sbarrier.arrive $0xFFFF  }
0x56: {  	s31 =	simm.s32 $0x2;
	[sflag:s2] =	ssyncpa.u1 $0x1  }
0x57: {  	[sflag:s31] =	ssyncpa.u1 $0x1  }
0x58: {  	p0 =	sne.s32 s0, $0x0;
	_ =	strace $0x9000004A  }
0x59: {  	s0 =	sadd.s32 @!p0 $0x100000, s1;
	[bflag:$0x2] =	sbarrier.arrive $0xFFFF  }
0x5a: {  	[sflag:s0] =	ssyncadd.tile.s32 @!p0 $0x1;
	_ =	shalt  }
.Lfunc_end1:
_tile_overlayer_lowered:
.L_overlay_start_2:
0x5b: {  	(tag) =	ssettag $0x2  }
0x5c: {  	s0 =	rddreg [dreg:$0x0];
	s2 =	stileid.u32  }
0x5d: {  	s1 =	rddreg [dreg:$0x1];
	p0 =	sne.s32 s2, $0x0  }
0x5e: {  	s3 =	rddreg [dreg:$0x2];
	[bflag:$0x3] =	sbarrier.arrive $0xFFFF;
	s2 =	simm.s32 @!p0 $0x1C01  }
0x5f: {  	[timem:s3], [sflag:s2] =	dma.local @!p0 [hbm:s0], s1  }
0x60: {  	s0 =	simm.s32 @!p0 $0x1  }
0x61: {  	_ =	swait.ge @!p0 [sflag:s0], s1  }
0x62: {  	s1 =	ssub.s32 @!p0 $0x0, s1;
	[sflag:s0] =	ssyncset.done @!p0 $0x0  }
0x63: {  	[sflag:s0] =	ssyncadd.s32 @!p0 s1  }
0x64: {  	[bflag:$0x3] =	sbarrier.arrive $0xFFFF  }
0x65: {  	_ =	shalt  }

</sc_bundles>
